<compile_context>
chip_gen: v7x
topology: tpu7x:2x2x1
jax: 0.10.2.dev20260603
libtpu: 0.0.44.dev20260713+nightly
codegen_flags: <defaults>
</compile_context>

<pallas_src>
import jax
import jax.numpy as jnp
from jax import lax
from jax.experimental import pallas as pl
from jax.experimental.pallas import tpu as pltpu
from jax.experimental.pallas import tpu_sc as plsc

VOCAB = 100000
BATCH = 16384
DIM = 64

BRL = 12800
NBL = 8
VPAD = NBL * BRL


def _matvec_body(t1a_ref, t1b_ref, t2a_ref, t2b_ref, w_ref, b_ref,
                 s1_ref, s2_ref, s3_ref):
    t1a = t1a_ref[...].reshape(DIM // 2, BRL)
    t1b = t1b_ref[...].reshape(DIM // 2, BRL)
    t2a = t2a_ref[...].reshape(DIM // 2, BRL)
    t2b = t2b_ref[...].reshape(DIM // 2, BRL)
    w = w_ref[...]
    dn = (((1,), (0,)), ((), ()))
    s12 = (lax.dot_general(w[0:2, 0:32], t1a, dn,
                           preferred_element_type=jnp.float32) +
           lax.dot_general(w[0:2, 32:64], t1b, dn,
                           preferred_element_type=jnp.float32))
    s3 = (lax.dot_general(w[2:3, 0:32], t2a, dn,
                          preferred_element_type=jnp.float32) +
          lax.dot_general(w[2:3, 32:64], t2b, dn,
                          preferred_element_type=jnp.float32))
    s1_ref[...] = s12[0:1, :].reshape(1, 1, BRL)
    s2_ref[...] = s12[1:2, :].reshape(1, 1, BRL)
    s3_ref[...] = (s3 + b_ref[0]).reshape(1, 1, BRL)


def _matvec(t1r, t2r, w3x64, bias):
    half = pl.BlockSpec((1, DIM // 2, BRL), lambda g: (0, 0, g))
    halfb = pl.BlockSpec((1, DIM // 2, BRL), lambda g: (1, 0, g))
    out = pl.BlockSpec((1, 1, BRL), lambda g: (g, 0, 0))
    return pl.pallas_call(
        _matvec_body,
        grid=(NBL,),
        in_specs=[
            half, halfb, half, halfb,
            pl.BlockSpec((3, DIM), lambda g: (0, 0)),
            pl.BlockSpec(memory_space=pltpu.SMEM),
        ],
        out_specs=[out, out, out],
        out_shape=[jax.ShapeDtypeStruct((NBL, 1, BRL), jnp.float32)] * 3,
    )(t1r, t1r, t2r, t2r, w3x64, bias)


NC = 2
NS = 16
NW = NC * NS
NPW = BATCH // NW
CHUNK = 128
NCH = NPW // CHUNK


def _gather_body(s1_hbm, s2_hbm, s3_hbm, f1_hbm, f2_hbm, f3_hbm, out_hbm,
                 i1, i2, i3, g1, g2, g3, sem):
    cid = lax.axis_index("c")
    sid = lax.axis_index("s")
    wid = sid * NC + cid
    base = wid * NPW
    pltpu.sync_copy(f1_hbm.at[pl.ds(base, NPW)], i1)
    pltpu.sync_copy(f2_hbm.at[pl.ds(base, NPW)], i2)
    pltpu.sync_copy(f3_hbm.at[pl.ds(base, NPW)], i3)
    copies = []
    for j in range(NCH):
        sl = pl.ds(j * CHUNK, CHUNK)
        copies.append(pltpu.async_copy(s1_hbm.at[i1.at[sl]], g1.at[sl], sem))
        copies.append(pltpu.async_copy(s2_hbm.at[i2.at[sl]], g2.at[sl], sem))
        copies.append(pltpu.async_copy(s3_hbm.at[i3.at[sl]], g3.at[sl], sem))
    for cp in copies:
        cp.wait()
    for t in range(NPW // 16):
        sl = pl.ds(t * 16, 16)
        g1[sl] = g1[sl] + g2[sl] + g3[sl]
    pltpu.sync_copy(g1, out_hbm.at[pl.ds(base, NPW)])


def _gather(s1, s2, s3, f1, f2, f3):
    mesh = plsc.VectorSubcoreMesh(core_axis_name="c", subcore_axis_name="s")
    run = pl.kernel(
        _gather_body, mesh=mesh,
        out_type=jax.ShapeDtypeStruct((BATCH,), jnp.float32),
        scratch_types=[
            pltpu.VMEM((NPW,), jnp.int32),
            pltpu.VMEM((NPW,), jnp.int32),
            pltpu.VMEM((NPW,), jnp.int32),
            pltpu.VMEM((NPW,), jnp.float32),
            pltpu.VMEM((NPW,), jnp.float32),
            pltpu.VMEM((NPW,), jnp.float32),
            pltpu.SemaphoreType.DMA,
        ],
    )
    return run(s1, s2, s3, f1, f2, f3)


def kernel(f1, f2, f3, table1, table2, dense_w, dense_b):
    f1 = f1.astype(jnp.int32)
    f2 = f2.astype(jnp.int32)
    f3 = f3.astype(jnp.int32)
    w3x64 = dense_w.reshape(3, DIM)
    t1r = table1.T.reshape(2, DIM // 2, VOCAB)
    t2r = table2.T.reshape(2, DIM // 2, VOCAB)
    s1_3d, s2_3d, s3_3d = _matvec(t1r, t2r, w3x64, dense_b)
    s1 = s1_3d.reshape(VPAD)
    s2 = s2_3d.reshape(VPAD)
    s3 = s3_3d.reshape(VPAD)
    out = _gather(s1, s2, s3, f1, f2, f3)
    return out.reshape(BATCH, 1)

# --- scband reference (transcript-rebuilt; emitter-appended) ---
"""Pipeline reference for scband-edl-embedding-model-27530740367630 (READ-ONLY COPY).

The authoritative reference and input builder live on the scoring server;
editing this copy changes nothing except your own understanding.
"""

import jax, jax.numpy as jnp
import numpy as np

VOCAB = 100000
BATCH = 16384
DIM = 64

def setup_inputs(seed: int = 0) -> dict:
    key = jax.random.key(seed)
    k1, k2, k3, k4, k5, k6, k7 = jax.random.split(key, 7)
    f1 = jax.random.randint(k1, (BATCH,), 0, VOCAB, dtype=jnp.int64) if jax.config.jax_enable_x64 else jax.random.randint(k1, (BATCH,), 0, VOCAB).astype(jnp.int32)
    f2 = jax.random.randint(k2, (BATCH,), 0, VOCAB).astype(f1.dtype)
    f3 = jax.random.randint(k3, (BATCH,), 0, VOCAB).astype(f1.dtype)
    table1 = jax.random.normal(k4, (VOCAB, DIM), dtype=jnp.float32) * 0.05
    table2 = jax.random.normal(k5, (VOCAB, DIM), dtype=jnp.float32) * 0.05
    dense_w = jax.random.normal(k6, (3 * DIM, 1), dtype=jnp.float32) * (1.0 / np.sqrt(3 * DIM))
    dense_b = jnp.zeros((1,), dtype=jnp.float32)
    return {"f1": f1, "f2": f2, "f3": f3, "table1": table1, "table2": table2, "dense_w": dense_w, "dense_b": dense_b}


def reference(f1, f2, f3, table1, table2, dense_w, dense_b):
    # embedding_1 used for both f1 and f2 (shared table); embedding_2 for f3
    e1 = jnp.take(table1, f1, axis=0)   # [B, D]
    e2 = jnp.take(table1, f2, axis=0)   # [B, D]
    e3 = jnp.take(table2, f3, axis=0)   # [B, D]
    x = jnp.concatenate([e1, e2, e3], axis=-1)  # [B, 3D]
    x = x.reshape((x.shape[0], -1))              # Flatten (no-op for 2D)
    out = x @ dense_w + dense_b                  # [B, 1]
    return out

if __name__ == "__main__":
    import jax
    _d = setup_inputs()
    print(jax.jit(kernel)(*tuple(_d.values())))

</pallas_src>

<mosaic_0001>
#map = affine_map<(d0, d1) -> (0)>
module attributes {stable_mosaic.version = 14 : i64} {
  func.func @_gather_body(%arg0: i32, %arg1: i32, %arg2: memref<102400xf32, #tpu.memory_space<hbm>>, %arg3: memref<102400xf32, #tpu.memory_space<hbm>>, %arg4: memref<102400xf32, #tpu.memory_space<hbm>>, %arg5: memref<16384xi32, #tpu.memory_space<hbm>>, %arg6: memref<16384xi32, #tpu.memory_space<hbm>>, %arg7: memref<16384xi32, #tpu.memory_space<hbm>>, %arg8: memref<16384xf32, #tpu.memory_space<hbm>>, %arg9: memref<512xi32, #tpu.memory_space<vmem>>, %arg10: memref<512xi32, #tpu.memory_space<vmem>>, %arg11: memref<512xi32, #tpu.memory_space<vmem>>, %arg12: memref<512xf32, #tpu.memory_space<vmem>>, %arg13: memref<512xf32, #tpu.memory_space<vmem>>, %arg14: memref<512xf32, #tpu.memory_space<vmem>>, %arg15: memref<!tpu.dma_semaphore, #tpu.memory_space<semaphore_mem>>) attributes {dimension_semantics = [#tpu.dimension_semantics<core_parallel>, #tpu.dimension_semantics<subcore_parallel>], iteration_bounds = array<i64: 2, 16>, scalar_prefetch = 0 : i64, scratch_operands = 7 : i64, tpu.core_type = #tpu.core_type<sc_vector_subcore>, window_params = [{transform_indices = #map}, {transform_indices = #map}, {transform_indices = #map}, {transform_indices = #map}, {transform_indices = #map}, {transform_indices = #map}, {transform_indices = #map}]} {
    %mul3A = arith.constant 2 : i32
    %mul3A_0 = arith.muli %arg1, %mul3A : i32
    %add3A = arith.addi %mul3A_0, %arg0 : i32
    %mul3A_1 = arith.constant 512 : i32
    %mul3A_2 = arith.muli %add3A, %mul3A_1 : i32
    "tpu.region"() ({
      %run_scoped3A = tpu.sem_alloc : memref<!tpu.dma_semaphore, #tpu.memory_space<semaphore_mem>>
      %dma_start3A_623 = tpu.memref_slice %arg5[%mul3A_2] : memref<16384xi32, #tpu.memory_space<hbm>> -> memref<512xi32, #tpu.memory_space<hbm>>
      %dma_start3A_624 = tpu.memref_slice %arg5[%mul3A_2] : memref<16384xi32, #tpu.memory_space<hbm>> -> memref<512xi32, #tpu.memory_space<hbm>>
      tpu.enqueue_dma source(%dma_start3A_624 : memref<512xi32, #tpu.memory_space<hbm>>) target(%arg9 : memref<512xi32, #tpu.memory_space<vmem>>) target_semaphore(%run_scoped3A : memref<!tpu.dma_semaphore, #tpu.memory_space<semaphore_mem>>)
      %dma_wait3A_625 = tpu.memref_slice %arg5[%mul3A_2] : memref<16384xi32, #tpu.memory_space<hbm>> -> memref<512xi32, #tpu.memory_space<hbm>>
      %dma_wait3A_626 = tpu.memref_slice %arg5[%mul3A_2] : memref<16384xi32, #tpu.memory_space<hbm>> -> memref<512xi32, #tpu.memory_space<hbm>>
      tpu.wait_dma2 semaphore(%run_scoped3A : memref<!tpu.dma_semaphore, #tpu.memory_space<semaphore_mem>>) src(%dma_wait3A_626 : memref<512xi32, #tpu.memory_space<hbm>>) dst(%arg9 : memref<512xi32, #tpu.memory_space<vmem>>)
      tpu.yield
    }) : () -> ()
    "tpu.region"() ({
      %run_scoped3A = tpu.sem_alloc : memref<!tpu.dma_semaphore, #tpu.memory_space<semaphore_mem>>
      %dma_start3A_623 = tpu.memref_slice %arg6[%mul3A_2] : memref<16384xi32, #tpu.memory_space<hbm>> -> memref<512xi32, #tpu.memory_space<hbm>>
      %dma_start3A_624 = tpu.memref_slice %arg6[%mul3A_2] : memref<16384xi32, #tpu.memory_space<hbm>> -> memref<512xi32, #tpu.memory_space<hbm>>
      tpu.enqueue_dma source(%dma_start3A_624 : memref<512xi32, #tpu.memory_space<hbm>>) target(%arg10 : memref<512xi32, #tpu.memory_space<vmem>>) target_semaphore(%run_scoped3A : memref<!tpu.dma_semaphore, #tpu.memory_space<semaphore_mem>>)
      %dma_wait3A_625 = tpu.memref_slice %arg6[%mul3A_2] : memref<16384xi32, #tpu.memory_space<hbm>> -> memref<512xi32, #tpu.memory_space<hbm>>
      %dma_wait3A_626 = tpu.memref_slice %arg6[%mul3A_2] : memref<16384xi32, #tpu.memory_space<hbm>> -> memref<512xi32, #tpu.memory_space<hbm>>
      tpu.wait_dma2 semaphore(%run_scoped3A : memref<!tpu.dma_semaphore, #tpu.memory_space<semaphore_mem>>) src(%dma_wait3A_626 : memref<512xi32, #tpu.memory_space<hbm>>) dst(%arg10 : memref<512xi32, #tpu.memory_space<vmem>>)
      tpu.yield
    }) : () -> ()
    "tpu.region"() ({
      %run_scoped3A = tpu.sem_alloc : memref<!tpu.dma_semaphore, #tpu.memory_space<semaphore_mem>>
      %dma_start3A_623 = tpu.memref_slice %arg7[%mul3A_2] : memref<16384xi32, #tpu.memory_space<hbm>> -> memref<512xi32, #tpu.memory_space<hbm>>
      %dma_start3A_624 = tpu.memref_slice %arg7[%mul3A_2] : memref<16384xi32, #tpu.memory_space<hbm>> -> memref<512xi32, #tpu.memory_space<hbm>>
      tpu.enqueue_dma source(%dma_start3A_624 : memref<512xi32, #tpu.memory_space<hbm>>) target(%arg11 : memref<512xi32, #tpu.memory_space<vmem>>) target_semaphore(%run_scoped3A : memref<!tpu.dma_semaphore, #tpu.memory_space<semaphore_mem>>)
      %dma_wait3A_625 = tpu.memref_slice %arg7[%mul3A_2] : memref<16384xi32, #tpu.memory_space<hbm>> -> memref<512xi32, #tpu.memory_space<hbm>>
      %dma_wait3A_626 = tpu.memref_slice %arg7[%mul3A_2] : memref<16384xi32, #tpu.memory_space<hbm>> -> memref<512xi32, #tpu.memory_space<hbm>>
      tpu.wait_dma2 semaphore(%run_scoped3A : memref<!tpu.dma_semaphore, #tpu.memory_space<semaphore_mem>>) src(%dma_wait3A_626 : memref<512xi32, #tpu.memory_space<hbm>>) dst(%arg11 : memref<512xi32, #tpu.memory_space<vmem>>)
      tpu.yield
    }) : () -> ()
    %dma_start3A = arith.constant 0 : i32
    %dma_start3A_3 = tpu.memref_slice %arg12[%dma_start3A] : memref<512xf32, #tpu.memory_space<vmem>> -> memref<128xf32, #tpu.memory_space<vmem>>
    %dma_start3A_4 = arith.constant 0 : i32
    %dma_start3A_5 = tpu.memref_slice %arg9[%dma_start3A_4] : memref<512xi32, #tpu.memory_space<vmem>> -> memref<128xi32, #tpu.memory_space<vmem>>
    %dma_start3A_6 = arith.constant 0 : i32
    %dma_start3A_7 = tpu.memref_slice %arg2[%dma_start3A_6] : memref<102400xf32, #tpu.memory_space<hbm>> -> memref<102400xf32, #tpu.memory_space<hbm>>
    tpu.enqueue_indirect_dma source(%dma_start3A_7 : memref<102400xf32, #tpu.memory_space<hbm>>) target(%dma_start3A_3 : memref<128xf32, #tpu.memory_space<vmem>>) offsets(%dma_start3A_5 : memref<128xi32, #tpu.memory_space<vmem>>) semaphore(%arg15 : memref<!tpu.dma_semaphore, #tpu.memory_space<semaphore_mem>>)
    %dma_start3A_8 = arith.constant 0 : i32
    %dma_start3A_9 = tpu.memref_slice %arg13[%dma_start3A_8] : memref<512xf32, #tpu.memory_space<vmem>> -> memref<128xf32, #tpu.memory_space<vmem>>
    %dma_start3A_10 = arith.constant 0 : i32
    %dma_start3A_11 = tpu.memref_slice %arg10[%dma_start3A_10] : memref<512xi32, #tpu.memory_space<vmem>> -> memref<128xi32, #tpu.memory_space<vmem>>
    %dma_start3A_12 = arith.constant 0 : i32
    %dma_start3A_13 = tpu.memref_slice %arg3[%dma_start3A_12] : memref<102400xf32, #tpu.memory_space<hbm>> -> memref<102400xf32, #tpu.memory_space<hbm>>
    tpu.enqueue_indirect_dma source(%dma_start3A_13 : memref<102400xf32, #tpu.memory_space<hbm>>) target(%dma_start3A_9 : memref<128xf32, #tpu.memory_space<vmem>>) offsets(%dma_start3A_11 : memref<128xi32, #tpu.memory_space<vmem>>) semaphore(%arg15 : memref<!tpu.dma_semaphore, #tpu.memory_space<semaphore_mem>>)
    %dma_start3A_14 = arith.constant 0 : i32
    %dma_start3A_15 = tpu.memref_slice %arg14[%dma_start3A_14] : memref<512xf32, #tpu.memory_space<vmem>> -> memref<128xf32, #tpu.memory_space<vmem>>
    %dma_start3A_16 = arith.constant 0 : i32
    %dma_start3A_17 = tpu.memref_slice %arg11[%dma_start3A_16] : memref<512xi32, #tpu.memory_space<vmem>> -> memref<128xi32, #tpu.memory_space<vmem>>
    %dma_start3A_18 = arith.constant 0 : i32
    %dma_start3A_19 = tpu.memref_slice %arg4[%dma_start3A_18] : memref<102400xf32, #tpu.memory_space<hbm>> -> memref<102400xf32, #tpu.memory_space<hbm>>
    tpu.enqueue_indirect_dma source(%dma_start3A_19 : memref<102400xf32, #tpu.memory_space<hbm>>) target(%dma_start3A_15 : memref<128xf32, #tpu.memory_space<vmem>>) offsets(%dma_start3A_17 : memref<128xi32, #tpu.memory_space<vmem>>) semaphore(%arg15 : memref<!tpu.dma_semaphore, #tpu.memory_space<semaphore_mem>>)
    %dma_start3A_20 = arith.constant 128 : i32
    %dma_start3A_21 = tpu.memref_slice %arg12[%dma_start3A_20] : memref<512xf32, #tpu.memory_space<vmem>> -> memref<128xf32, #tpu.memory_space<vmem>>
    %dma_start3A_22 = arith.constant 128 : i32
    %dma_start3A_23 = tpu.memref_slice %arg9[%dma_start3A_22] : memref<512xi32, #tpu.memory_space<vmem>> -> memref<128xi32, #tpu.memory_space<vmem>>
    %dma_start3A_24 = arith.constant 0 : i32
    %dma_start3A_25 = tpu.memref_slice %arg2[%dma_start3A_24] : memref<102400xf32, #tpu.memory_space<hbm>> -> memref<102400xf32, #tpu.memory_space<hbm>>
    tpu.enqueue_indirect_dma source(%dma_start3A_25 : memref<102400xf32, #tpu.memory_space<hbm>>) target(%dma_start3A_21 : memref<128xf32, #tpu.memory_space<vmem>>) offsets(%dma_start3A_23 : memref<128xi32, #tpu.memory_space<vmem>>) semaphore(%arg15 : memref<!tpu.dma_semaphore, #tpu.memory_space<semaphore_mem>>)
    %dma_start3A_26 = arith.constant 128 : i32
    %dma_start3A_27 = tpu.memref_slice %arg13[%dma_start3A_26] : memref<512xf32, #tpu.memory_space<vmem>> -> memref<128xf32, #tpu.memory_space<vmem>>
    %dma_start3A_28 = arith.constant 128 : i32
    %dma_start3A_29 = tpu.memref_slice %arg10[%dma_start3A_28] : memref<512xi32, #tpu.memory_space<vmem>> -> memref<128xi32, #tpu.memory_space<vmem>>
    %dma_start3A_30 = arith.constant 0 : i32
    %dma_start3A_31 = tpu.memref_slice %arg3[%dma_start3A_30] : memref<102400xf32, #tpu.memory_space<hbm>> -> memref<102400xf32, #tpu.memory_space<hbm>>
    tpu.enqueue_indirect_dma source(%dma_start3A_31 : memref<102400xf32, #tpu.memory_space<hbm>>) target(%dma_start3A_27 : memref<128xf32, #tpu.memory_space<vmem>>) offsets(%dma_start3A_29 : memref<128xi32, #tpu.memory_space<vmem>>) semaphore(%arg15 : memref<!tpu.dma_semaphore, #tpu.memory_space<semaphore_mem>>)
    %dma_start3A_32 = arith.constant 128 : i32
    %dma_start3A_33 = tpu.memref_slice %arg14[%dma_start3A_32] : memref<512xf32, #tpu.memory_space<vmem>> -> memref<128xf32, #tpu.memory_space<vmem>>
    %dma_start3A_34 = arith.constant 128 : i32
    %dma_start3A_35 = tpu.memref_slice %arg11[%dma_start3A_34] : memref<512xi32, #tpu.memory_space<vmem>> -> memref<128xi32, #tpu.memory_space<vmem>>
    %dma_start3A_36 = arith.constant 0 : i32
    %dma_start3A_37 = tpu.memref_slice %arg4[%dma_start3A_36] : memref<102400xf32, #tpu.memory_space<hbm>> -> memref<102400xf32, #tpu.memory_space<hbm>>
    tpu.enqueue_indirect_dma source(%dma_start3A_37 : memref<102400xf32, #tpu.memory_space<hbm>>) target(%dma_start3A_33 : memref<128xf32, #tpu.memory_space<vmem>>) offsets(%dma_start3A_35 : memref<128xi32, #tpu.memory_space<vmem>>) semaphore(%arg15 : memref<!tpu.dma_semaphore, #tpu.memory_space<semaphore_mem>>)
    %dma_start3A_38 = arith.constant 256 : i32
    %dma_start3A_39 = tpu.memref_slice %arg12[%dma_start3A_38] : memref<512xf32, #tpu.memory_space<vmem>> -> memref<128xf32, #tpu.memory_space<vmem>>
    %dma_start3A_40 = arith.constant 256 : i32
    %dma_start3A_41 = tpu.memref_slice %arg9[%dma_start3A_40] : memref<512xi32, #tpu.memory_space<vmem>> -> memref<128xi32, #tpu.memory_space<vmem>>
    %dma_start3A_42 = arith.constant 0 : i32
    %dma_start3A_43 = tpu.memref_slice %arg2[%dma_start3A_42] : memref<102400xf32, #tpu.memory_space<hbm>> -> memref<102400xf32, #tpu.memory_space<hbm>>
    tpu.enqueue_indirect_dma source(%dma_start3A_43 : memref<102400xf32, #tpu.memory_space<hbm>>) target(%dma_start3A_39 : memref<128xf32, #tpu.memory_space<vmem>>) offsets(%dma_start3A_41 : memref<128xi32, #tpu.memory_space<vmem>>) semaphore(%arg15 : memref<!tpu.dma_semaphore, #tpu.memory_space<semaphore_mem>>)
    %dma_start3A_44 = arith.constant 256 : i32
    %dma_start3A_45 = tpu.memref_slice %arg13[%dma_start3A_44] : memref<512xf32, #tpu.memory_space<vmem>> -> memref<128xf32, #tpu.memory_space<vmem>>
    %dma_start3A_46 = arith.constant 256 : i32
    %dma_start3A_47 = tpu.memref_slice %arg10[%dma_start3A_46] : memref<512xi32, #tpu.memory_space<vmem>> -> memref<128xi32, #tpu.memory_space<vmem>>
    %dma_start3A_48 = arith.constant 0 : i32
    %dma_start3A_49 = tpu.memref_slice %arg3[%dma_start3A_48] : memref<102400xf32, #tpu.memory_space<hbm>> -> memref<102400xf32, #tpu.memory_space<hbm>>
    tpu.enqueue_indirect_dma source(%dma_start3A_49 : memref<102400xf32, #tpu.memory_space<hbm>>) target(%dma_start3A_45 : memref<128xf32, #tpu.memory_space<vmem>>) offsets(%dma_start3A_47 : memref<128xi32, #tpu.memory_space<vmem>>) semaphore(%arg15 : memref<!tpu.dma_semaphore, #tpu.memory_space<semaphore_mem>>)
    %dma_start3A_50 = arith.constant 256 : i32
    %dma_start3A_51 = tpu.memref_slice %arg14[%dma_start3A_50] : memref<512xf32, #tpu.memory_space<vmem>> -> memref<128xf32, #tpu.memory_space<vmem>>
    %dma_start3A_52 = arith.constant 256 : i32
    %dma_start3A_53 = tpu.memref_slice %arg11[%dma_start3A_52] : memref<512xi32, #tpu.memory_space<vmem>> -> memref<128xi32, #tpu.memory_space<vmem>>
    %dma_start3A_54 = arith.constant 0 : i32
    %dma_start3A_55 = tpu.memref_slice %arg4[%dma_start3A_54] : memref<102400xf32, #tpu.memory_space<hbm>> -> memref<102400xf32, #tpu.memory_space<hbm>>
    tpu.enqueue_indirect_dma source(%dma_start3A_55 : memref<102400xf32, #tpu.memory_space<hbm>>) target(%dma_start3A_51 : memref<128xf32, #tpu.memory_space<vmem>>) offsets(%dma_start3A_53 : memref<128xi32, #tpu.memory_space<vmem>>) semaphore(%arg15 : memref<!tpu.dma_semaphore, #tpu.memory_space<semaphore_mem>>)
    %dma_start3A_56 = arith.constant 384 : i32
    %dma_start3A_57 = tpu.memref_slice %arg12[%dma_start3A_56] : memref<512xf32, #tpu.memory_space<vmem>> -> memref<128xf32, #tpu.memory_space<vmem>>
    %dma_start3A_58 = arith.constant 384 : i32
    %dma_start3A_59 = tpu.memref_slice %arg9[%dma_start3A_58] : memref<512xi32, #tpu.memory_space<vmem>> -> memref<128xi32, #tpu.memory_space<vmem>>
    %dma_start3A_60 = arith.constant 0 : i32
    %dma_start3A_61 = tpu.memref_slice %arg2[%dma_start3A_60] : memref<102400xf32, #tpu.memory_space<hbm>> -> memref<102400xf32, #tpu.memory_space<hbm>>
    tpu.enqueue_indirect_dma source(%dma_start3A_61 : memref<102400xf32, #tpu.memory_space<hbm>>) target(%dma_start3A_57 : memref<128xf32, #tpu.memory_space<vmem>>) offsets(%dma_start3A_59 : memref<128xi32, #tpu.memory_space<vmem>>) semaphore(%arg15 : memref<!tpu.dma_semaphore, #tpu.memory_space<semaphore_mem>>)
    %dma_start3A_62 = arith.constant 384 : i32
    %dma_start3A_63 = tpu.memref_slice %arg13[%dma_start3A_62] : memref<512xf32, #tpu.memory_space<vmem>> -> memref<128xf32, #tpu.memory_space<vmem>>
    %dma_start3A_64 = arith.constant 384 : i32
    %dma_start3A_65 = tpu.memref_slice %arg10[%dma_start3A_64] : memref<512xi32, #tpu.memory_space<vmem>> -> memref<128xi32, #tpu.memory_space<vmem>>
    %dma_start3A_66 = arith.constant 0 : i32
    %dma_start3A_67 = tpu.memref_slice %arg3[%dma_start3A_66] : memref<102400xf32, #tpu.memory_space<hbm>> -> memref<102400xf32, #tpu.memory_space<hbm>>
    tpu.enqueue_indirect_dma source(%dma_start3A_67 : memref<102400xf32, #tpu.memory_space<hbm>>) target(%dma_start3A_63 : memref<128xf32, #tpu.memory_space<vmem>>) offsets(%dma_start3A_65 : memref<128xi32, #tpu.memory_space<vmem>>) semaphore(%arg15 : memref<!tpu.dma_semaphore, #tpu.memory_space<semaphore_mem>>)
    %dma_start3A_68 = arith.constant 384 : i32
    %dma_start3A_69 = tpu.memref_slice %arg14[%dma_start3A_68] : memref<512xf32, #tpu.memory_space<vmem>> -> memref<128xf32, #tpu.memory_space<vmem>>
    %dma_start3A_70 = arith.constant 384 : i32
    %dma_start3A_71 = tpu.memref_slice %arg11[%dma_start3A_70] : memref<512xi32, #tpu.memory_space<vmem>> -> memref<128xi32, #tpu.memory_space<vmem>>
    %dma_start3A_72 = arith.constant 0 : i32
    %dma_start3A_73 = tpu.memref_slice %arg4[%dma_start3A_72] : memref<102400xf32, #tpu.memory_space<hbm>> -> memref<102400xf32, #tpu.memory_space<hbm>>
    tpu.enqueue_indirect_dma source(%dma_start3A_73 : memref<102400xf32, #tpu.memory_space<hbm>>) target(%dma_start3A_69 : memref<128xf32, #tpu.memory_space<vmem>>) offsets(%dma_start3A_71 : memref<128xi32, #tpu.memory_space<vmem>>) semaphore(%arg15 : memref<!tpu.dma_semaphore, #tpu.memory_space<semaphore_mem>>)
    %dma_wait3A = arith.constant 0 : i32
    %dma_wait3A_74 = tpu.memref_slice %arg12[%dma_wait3A] : memref<512xf32, #tpu.memory_space<vmem>> -> memref<128xf32, #tpu.memory_space<vmem>>
    %dma_wait3A_75 = arith.constant 0 : i32
    %dma_wait3A_76 = tpu.memref_slice %arg9[%dma_wait3A_75] : memref<512xi32, #tpu.memory_space<vmem>> -> memref<128xi32, #tpu.memory_space<vmem>>
    %dma_wait3A_77 = arith.constant 0 : i32
    %dma_wait3A_78 = tpu.memref_slice %arg2[%dma_wait3A_77] : memref<102400xf32, #tpu.memory_space<hbm>> -> memref<102400xf32, #tpu.memory_space<hbm>>
    tpu.wait_indirect_dma semaphore(%arg15 : memref<!tpu.dma_semaphore, #tpu.memory_space<semaphore_mem>>) src(%dma_wait3A_78 : memref<102400xf32, #tpu.memory_space<hbm>>) dst(%dma_wait3A_74 : memref<128xf32, #tpu.memory_space<vmem>>)
    %dma_wait3A_79 = arith.constant 0 : i32
    %dma_wait3A_80 = tpu.memref_slice %arg13[%dma_wait3A_79] : memref<512xf32, #tpu.memory_space<vmem>> -> memref<128xf32, #tpu.memory_space<vmem>>
    %dma_wait3A_81 = arith.constant 0 : i32
    %dma_wait3A_82 = tpu.memref_slice %arg10[%dma_wait3A_81] : memref<512xi32, #tpu.memory_space<vmem>> -> memref<128xi32, #tpu.memory_space<vmem>>
    %dma_wait3A_83 = arith.constant 0 : i32
    %dma_wait3A_84 = tpu.memref_slice %arg3[%dma_wait3A_83] : memref<102400xf32, #tpu.memory_space<hbm>> -> memref<102400xf32, #tpu.memory_space<hbm>>
    tpu.wait_indirect_dma semaphore(%arg15 : memref<!tpu.dma_semaphore, #tpu.memory_space<semaphore_mem>>) src(%dma_wait3A_84 : memref<102400xf32, #tpu.memory_space<hbm>>) dst(%dma_wait3A_80 : memref<128xf32, #tpu.memory_space<vmem>>)
    %dma_wait3A_85 = arith.constant 0 : i32
    %dma_wait3A_86 = tpu.memref_slice %arg14[%dma_wait3A_85] : memref<512xf32, #tpu.memory_space<vmem>> -> memref<128xf32, #tpu.memory_space<vmem>>
    %dma_wait3A_87 = arith.constant 0 : i32
    %dma_wait3A_88 = tpu.memref_slice %arg11[%dma_wait3A_87] : memref<512xi32, #tpu.memory_space<vmem>> -> memref<128xi32, #tpu.memory_space<vmem>>
    %dma_wait3A_89 = arith.constant 0 : i32
    %dma_wait3A_90 = tpu.memref_slice %arg4[%dma_wait3A_89] : memref<102400xf32, #tpu.memory_space<hbm>> -> memref<102400xf32, #tpu.memory_space<hbm>>
    tpu.wait_indirect_dma semaphore(%arg15 : memref<!tpu.dma_semaphore, #tpu.memory_space<semaphore_mem>>) src(%dma_wait3A_90 : memref<102400xf32, #tpu.memory_space<hbm>>) dst(%dma_wait3A_86 : memref<128xf32, #tpu.memory_space<vmem>>)
    %dma_wait3A_91 = arith.constant 128 : i32
    %dma_wait3A_92 = tpu.memref_slice %arg12[%dma_wait3A_91] : memref<512xf32, #tpu.memory_space<vmem>> -> memref<128xf32, #tpu.memory_space<vmem>>
    %dma_wait3A_93 = arith.constant 128 : i32
    %dma_wait3A_94 = tpu.memref_slice %arg9[%dma_wait3A_93] : memref<512xi32, #tpu.memory_space<vmem>> -> memref<128xi32, #tpu.memory_space<vmem>>
    %dma_wait3A_95 = arith.constant 0 : i32
    %dma_wait3A_96 = tpu.memref_slice %arg2[%dma_wait3A_95] : memref<102400xf32, #tpu.memory_space<hbm>> -> memref<102400xf32, #tpu.memory_space<hbm>>
    tpu.wait_indirect_dma semaphore(%arg15 : memref<!tpu.dma_semaphore, #tpu.memory_space<semaphore_mem>>) src(%dma_wait3A_96 : memref<102400xf32, #tpu.memory_space<hbm>>) dst(%dma_wait3A_92 : memref<128xf32, #tpu.memory_space<vmem>>)
    %dma_wait3A_97 = arith.constant 128 : i32
    %dma_wait3A_98 = tpu.memref_slice %arg13[%dma_wait3A_97] : memref<512xf32, #tpu.memory_space<vmem>> -> memref<128xf32, #tpu.memory_space<vmem>>
    %dma_wait3A_99 = arith.constant 128 : i32
    %dma_wait3A_100 = tpu.memref_slice %arg10[%dma_wait3A_99] : memref<512xi32, #tpu.memory_space<vmem>> -> memref<128xi32, #tpu.memory_space<vmem>>
    %dma_wait3A_101 = arith.constant 0 : i32
    %dma_wait3A_102 = tpu.memref_slice %arg3[%dma_wait3A_101] : memref<102400xf32, #tpu.memory_space<hbm>> -> memref<102400xf32, #tpu.memory_space<hbm>>
    tpu.wait_indirect_dma semaphore(%arg15 : memref<!tpu.dma_semaphore, #tpu.memory_space<semaphore_mem>>) src(%dma_wait3A_102 : memref<102400xf32, #tpu.memory_space<hbm>>) dst(%dma_wait3A_98 : memref<128xf32, #tpu.memory_space<vmem>>)
    %dma_wait3A_103 = arith.constant 128 : i32
    %dma_wait3A_104 = tpu.memref_slice %arg14[%dma_wait3A_103] : memref<512xf32, #tpu.memory_space<vmem>> -> memref<128xf32, #tpu.memory_space<vmem>>
    %dma_wait3A_105 = arith.constant 128 : i32
    %dma_wait3A_106 = tpu.memref_slice %arg11[%dma_wait3A_105] : memref<512xi32, #tpu.memory_space<vmem>> -> memref<128xi32, #tpu.memory_space<vmem>>
    %dma_wait3A_107 = arith.constant 0 : i32
    %dma_wait3A_108 = tpu.memref_slice %arg4[%dma_wait3A_107] : memref<102400xf32, #tpu.memory_space<hbm>> -> memref<102400xf32, #tpu.memory_space<hbm>>
    tpu.wait_indirect_dma semaphore(%arg15 : memref<!tpu.dma_semaphore, #tpu.memory_space<semaphore_mem>>) src(%dma_wait3A_108 : memref<102400xf32, #tpu.memory_space<hbm>>) dst(%dma_wait3A_104 : memref<128xf32, #tpu.memory_space<vmem>>)
    %dma_wait3A_109 = arith.constant 256 : i32
    %dma_wait3A_110 = tpu.memref_slice %arg12[%dma_wait3A_109] : memref<512xf32, #tpu.memory_space<vmem>> -> memref<128xf32, #tpu.memory_space<vmem>>
    %dma_wait3A_111 = arith.constant 256 : i32
    %dma_wait3A_112 = tpu.memref_slice %arg9[%dma_wait3A_111] : memref<512xi32, #tpu.memory_space<vmem>> -> memref<128xi32, #tpu.memory_space<vmem>>
    %dma_wait3A_113 = arith.constant 0 : i32
    %dma_wait3A_114 = tpu.memref_slice %arg2[%dma_wait3A_113] : memref<102400xf32, #tpu.memory_space<hbm>> -> memref<102400xf32, #tpu.memory_space<hbm>>
    tpu.wait_indirect_dma semaphore(%arg15 : memref<!tpu.dma_semaphore, #tpu.memory_space<semaphore_mem>>) src(%dma_wait3A_114 : memref<102400xf32, #tpu.memory_space<hbm>>) dst(%dma_wait3A_110 : memref<128xf32, #tpu.memory_space<vmem>>)
    %dma_wait3A_115 = arith.constant 256 : i32
    %dma_wait3A_116 = tpu.memref_slice %arg13[%dma_wait3A_115] : memref<512xf32, #tpu.memory_space<vmem>> -> memref<128xf32, #tpu.memory_space<vmem>>
    %dma_wait3A_117 = arith.constant 256 : i32
    %dma_wait3A_118 = tpu.memref_slice %arg10[%dma_wait3A_117] : memref<512xi32, #tpu.memory_space<vmem>> -> memref<128xi32, #tpu.memory_space<vmem>>
    %dma_wait3A_119 = arith.constant 0 : i32
    %dma_wait3A_120 = tpu.memref_slice %arg3[%dma_wait3A_119] : memref<102400xf32, #tpu.memory_space<hbm>> -> memref<102400xf32, #tpu.memory_space<hbm>>
    tpu.wait_indirect_dma semaphore(%arg15 : memref<!tpu.dma_semaphore, #tpu.memory_space<semaphore_mem>>) src(%dma_wait3A_120 : memref<102400xf32, #tpu.memory_space<hbm>>) dst(%dma_wait3A_116 : memref<128xf32, #tpu.memory_space<vmem>>)
    %dma_wait3A_121 = arith.constant 256 : i32
    %dma_wait3A_122 = tpu.memref_slice %arg14[%dma_wait3A_121] : memref<512xf32, #tpu.memory_space<vmem>> -> memref<128xf32, #tpu.memory_space<vmem>>
    %dma_wait3A_123 = arith.constant 256 : i32
    %dma_wait3A_124 = tpu.memref_slice %arg11[%dma_wait3A_123] : memref<512xi32, #tpu.memory_space<vmem>> -> memref<128xi32, #tpu.memory_space<vmem>>
    %dma_wait3A_125 = arith.constant 0 : i32
    %dma_wait3A_126 = tpu.memref_slice %arg4[%dma_wait3A_125] : memref<102400xf32, #tpu.memory_space<hbm>> -> memref<102400xf32, #tpu.memory_space<hbm>>
    tpu.wait_indirect_dma semaphore(%arg15 : memref<!tpu.dma_semaphore, #tpu.memory_space<semaphore_mem>>) src(%dma_wait3A_126 : memref<102400xf32, #tpu.memory_space<hbm>>) dst(%dma_wait3A_122 : memref<128xf32, #tpu.memory_space<vmem>>)
    %dma_wait3A_127 = arith.constant 384 : i32
    %dma_wait3A_128 = tpu.memref_slice %arg12[%dma_wait3A_127] : memref<512xf32, #tpu.memory_space<vmem>> -> memref<128xf32, #tpu.memory_space<vmem>>
    %dma_wait3A_129 = arith.constant 384 : i32
    %dma_wait3A_130 = tpu.memref_slice %arg9[%dma_wait3A_129] : memref<512xi32, #tpu.memory_space<vmem>> -> memref<128xi32, #tpu.memory_space<vmem>>
    %dma_wait3A_131 = arith.constant 0 : i32
    %dma_wait3A_132 = tpu.memref_slice %arg2[%dma_wait3A_131] : memref<102400xf32, #tpu.memory_space<hbm>> -> memref<102400xf32, #tpu.memory_space<hbm>>
    tpu.wait_indirect_dma semaphore(%arg15 : memref<!tpu.dma_semaphore, #tpu.memory_space<semaphore_mem>>) src(%dma_wait3A_132 : memref<102400xf32, #tpu.memory_space<hbm>>) dst(%dma_wait3A_128 : memref<128xf32, #tpu.memory_space<vmem>>)
    %dma_wait3A_133 = arith.constant 384 : i32
    %dma_wait3A_134 = tpu.memref_slice %arg13[%dma_wait3A_133] : memref<512xf32, #tpu.memory_space<vmem>> -> memref<128xf32, #tpu.memory_space<vmem>>
    %dma_wait3A_135 = arith.constant 384 : i32
    %dma_wait3A_136 = tpu.memref_slice %arg10[%dma_wait3A_135] : memref<512xi32, #tpu.memory_space<vmem>> -> memref<128xi32, #tpu.memory_space<vmem>>
    %dma_wait3A_137 = arith.constant 0 : i32
    %dma_wait3A_138 = tpu.memref_slice %arg3[%dma_wait3A_137] : memref<102400xf32, #tpu.memory_space<hbm>> -> memref<102400xf32, #tpu.memory_space<hbm>>
    tpu.wait_indirect_dma semaphore(%arg15 : memref<!tpu.dma_semaphore, #tpu.memory_space<semaphore_mem>>) src(%dma_wait3A_138 : memref<102400xf32, #tpu.memory_space<hbm>>) dst(%dma_wait3A_134 : memref<128xf32, #tpu.memory_space<vmem>>)
    %dma_wait3A_139 = arith.constant 384 : i32
    %dma_wait3A_140 = tpu.memref_slice %arg14[%dma_wait3A_139] : memref<512xf32, #tpu.memory_space<vmem>> -> memref<128xf32, #tpu.memory_space<vmem>>
    %dma_wait3A_141 = arith.constant 384 : i32
    %dma_wait3A_142 = tpu.memref_slice %arg11[%dma_wait3A_141] : memref<512xi32, #tpu.memory_space<vmem>> -> memref<128xi32, #tpu.memory_space<vmem>>
    %dma_wait3A_143 = arith.constant 0 : i32
    %dma_wait3A_144 = tpu.memref_slice %arg4[%dma_wait3A_143] : memref<102400xf32, #tpu.memory_space<hbm>> -> memref<102400xf32, #tpu.memory_space<hbm>>
    tpu.wait_indirect_dma semaphore(%arg15 : memref<!tpu.dma_semaphore, #tpu.memory_space<semaphore_mem>>) src(%dma_wait3A_144 : memref<102400xf32, #tpu.memory_space<hbm>>) dst(%dma_wait3A_140 : memref<128xf32, #tpu.memory_space<vmem>>)
    %get3A = arith.constant 0 : index
    %get3A_145 = tpu.vector_load %arg12[%get3A] {strides = array<i32>} : memref<512xf32, #tpu.memory_space<vmem>>, vector<16xf32>,
    %get3A_146 = vector.shape_cast %get3A_145 : vector<16xf32> to vector<16xf32>
    %get3A_147 = arith.constant 0 : index
    %get3A_148 = tpu.vector_load %arg13[%get3A_147] {strides = array<i32>} : memref<512xf32, #tpu.memory_space<vmem>>, vector<16xf32>,
    %get3A_149 = vector.shape_cast %get3A_148 : vector<16xf32> to vector<16xf32>
    %add3A_150 = arith.addf %get3A_146, %get3A_149 : vector<16xf32>
    %get3A_151 = arith.constant 0 : index
    %get3A_152 = tpu.vector_load %arg14[%get3A_151] {strides = array<i32>} : memref<512xf32, #tpu.memory_space<vmem>>, vector<16xf32>,
    %get3A_153 = vector.shape_cast %get3A_152 : vector<16xf32> to vector<16xf32>
    %add3A_154 = arith.addf %add3A_150, %get3A_153 : vector<16xf32>
    %swap3A = arith.constant 0 : index
    %swap3A_155 = tpu.vector_load %arg12[%swap3A] {strides = array<i32>} : memref<512xf32, #tpu.memory_space<vmem>>, vector<16xf32>,
    %swap3A_156 = vector.shape_cast %swap3A_155 : vector<16xf32> to vector<16xf32>
    %swap3A_157 = vector.shape_cast %add3A_154 : vector<16xf32> to vector<16xf32>
    tpu.vector_store %arg12[%swap3A], %swap3A_157 {strides = array<i32>} : memref<512xf32, #tpu.memory_space<vmem>>, vector<16xf32>,
    %get3A_158 = arith.constant 16 : index
    %get3A_159 = tpu.vector_load %arg12[%get3A_158] {strides = array<i32>} : memref<512xf32, #tpu.memory_space<vmem>>, vector<16xf32>,
    %get3A_160 = vector.shape_cast %get3A_159 : vector<16xf32> to vector<16xf32>
    %get3A_161 = arith.constant 16 : index
    %get3A_162 = tpu.vector_load %arg13[%get3A_161] {strides = array<i32>} : memref<512xf32, #tpu.memory_space<vmem>>, vector<16xf32>,
    %get3A_163 = vector.shape_cast %get3A_162 : vector<16xf32> to vector<16xf32>
    %add3A_164 = arith.addf %get3A_160, %get3A_163 : vector<16xf32>
    %get3A_165 = arith.constant 16 : index
    %get3A_166 = tpu.vector_load %arg14[%get3A_165] {strides = array<i32>} : memref<512xf32, #tpu.memory_space<vmem>>, vector<16xf32>,
    %get3A_167 = vector.shape_cast %get3A_166 : vector<16xf32> to vector<16xf32>
    %add3A_168 = arith.addf %add3A_164, %get3A_167 : vector<16xf32>
    %swap3A_169 = arith.constant 16 : index
    %swap3A_170 = tpu.vector_load %arg12[%swap3A_169] {strides = array<i32>} : memref<512xf32, #tpu.memory_space<vmem>>, vector<16xf32>,
    %swap3A_171 = vector.shape_cast %swap3A_170 : vector<16xf32> to vector<16xf32>
    %swap3A_172 = vector.shape_cast %add3A_168 : vector<16xf32> to vector<16xf32>
    tpu.vector_store %arg12[%swap3A_169], %swap3A_172 {strides = array<i32>} : memref<512xf32, #tpu.memory_space<vmem>>, vector<16xf32>,
    %get3A_173 = arith.constant 32 : index
    %get3A_174 = tpu.vector_load %arg12[%get3A_173] {strides = array<i32>} : memref<512xf32, #tpu.memory_space<vmem>>, vector<16xf32>,
    %get3A_175 = vector.shape_cast %get3A_174 : vector<16xf32> to vector<16xf32>
    %get3A_176 = arith.constant 32 : index
    %get3A_177 = tpu.vector_load %arg13[%get3A_176] {strides = array<i32>} : memref<512xf32, #tpu.memory_space<vmem>>, vector<16xf32>,
    %get3A_178 = vector.shape_cast %get3A_177 : vector<16xf32> to vector<16xf32>
    %add3A_179 = arith.addf %get3A_175, %get3A_178 : vector<16xf32>
    %get3A_180 = arith.constant 32 : index
    %get3A_181 = tpu.vector_load %arg14[%get3A_180] {strides = array<i32>} : memref<512xf32, #tpu.memory_space<vmem>>, vector<16xf32>,
    %get3A_182 = vector.shape_cast %get3A_181 : vector<16xf32> to vector<16xf32>
    %add3A_183 = arith.addf %add3A_179, %get3A_182 : vector<16xf32>
    %swap3A_184 = arith.constant 32 : index
    %swap3A_185 = tpu.vector_load %arg12[%swap3A_184] {strides = array<i32>} : memref<512xf32, #tpu.memory_space<vmem>>, vector<16xf32>,
    %swap3A_186 = vector.shape_cast %swap3A_185 : vector<16xf32> to vector<16xf32>
    %swap3A_187 = vector.shape_cast %add3A_183 : vector<16xf32> to vector<16xf32>
    tpu.vector_store %arg12[%swap3A_184], %swap3A_187 {strides = array<i32>} : memref<512xf32, #tpu.memory_space<vmem>>, vector<16xf32>,
    %get3A_188 = arith.constant 48 : index
    %get3A_189 = tpu.vector_load %arg12[%get3A_188] {strides = array<i32>} : memref<512xf32, #tpu.memory_space<vmem>>, vector<16xf32>,
    %get3A_190 = vector.shape_cast %get3A_189 : vector<16xf32> to vector<16xf32>
    %get3A_191 = arith.constant 48 : index
    %get3A_192 = tpu.vector_load %arg13[%get3A_191] {strides = array<i32>} : memref<512xf32, #tpu.memory_space<vmem>>, vector<16xf32>,
    %get3A_193 = vector.shape_cast %get3A_192 : vector<16xf32> to vector<16xf32>
    %add3A_194 = arith.addf %get3A_190, %get3A_193 : vector<16xf32>
    %get3A_195 = arith.constant 48 : index
    %get3A_196 = tpu.vector_load %arg14[%get3A_195] {strides = array<i32>} : memref<512xf32, #tpu.memory_space<vmem>>, vector<16xf32>,
    %get3A_197 = vector.shape_cast %get3A_196 : vector<16xf32> to vector<16xf32>
    %add3A_198 = arith.addf %add3A_194, %get3A_197 : vector<16xf32>
    %swap3A_199 = arith.constant 48 : index
    %swap3A_200 = tpu.vector_load %arg12[%swap3A_199] {strides = array<i32>} : memref<512xf32, #tpu.memory_space<vmem>>, vector<16xf32>,
    %swap3A_201 = vector.shape_cast %swap3A_200 : vector<16xf32> to vector<16xf32>
    %swap3A_202 = vector.shape_cast %add3A_198 : vector<16xf32> to vector<16xf32>
    tpu.vector_store %arg12[%swap3A_199], %swap3A_202 {strides = array<i32>} : memref<512xf32, #tpu.memory_space<vmem>>, vector<16xf32>,
    %get3A_203 = arith.constant 64 : index
    %get3A_204 = tpu.vector_load %arg12[%get3A_203] {strides = array<i32>} : memref<512xf32, #tpu.memory_space<vmem>>, vector<16xf32>,
    %get3A_205 = vector.shape_cast %get3A_204 : vector<16xf32> to vector<16xf32>
    %get3A_206 = arith.constant 64 : index
    %get3A_207 = tpu.vector_load %arg13[%get3A_206] {strides = array<i32>} : memref<512xf32, #tpu.memory_space<vmem>>, vector<16xf32>,
    %get3A_208 = vector.shape_cast %get3A_207 : vector<16xf32> to vector<16xf32>
    %add3A_209 = arith.addf %get3A_205, %get3A_208 : vector<16xf32>
    %get3A_210 = arith.constant 64 : index
    %get3A_211 = tpu.vector_load %arg14[%get3A_210] {strides = array<i32>} : memref<512xf32, #tpu.memory_space<vmem>>, vector<16xf32>,
    %get3A_212 = vector.shape_cast %get3A_211 : vector<16xf32> to vector<16xf32>
    %add3A_213 = arith.addf %add3A_209, %get3A_212 : vector<16xf32>
    %swap3A_214 = arith.constant 64 : index
    %swap3A_215 = tpu.vector_load %arg12[%swap3A_214] {strides = array<i32>} : memref<512xf32, #tpu.memory_space<vmem>>, vector<16xf32>,
    %swap3A_216 = vector.shape_cast %swap3A_215 : vector<16xf32> to vector<16xf32>
    %swap3A_217 = vector.shape_cast %add3A_213 : vector<16xf32> to vector<16xf32>
    tpu.vector_store %arg12[%swap3A_214], %swap3A_217 {strides = array<i32>} : memref<512xf32, #tpu.memory_space<vmem>>, vector<16xf32>,
    %get3A_218 = arith.constant 80 : index
    %get3A_219 = tpu.vector_load %arg12[%get3A_218] {strides = array<i32>} : memref<512xf32, #tpu.memory_space<vmem>>, vector<16xf32>,
    %get3A_220 = vector.shape_cast %get3A_219 : vector<16xf32> to vector<16xf32>
    %get3A_221 = arith.constant 80 : index
    %get3A_222 = tpu.vector_load %arg13[%get3A_221] {strides = array<i32>} : memref<512xf32, #tpu.memory_space<vmem>>, vector<16xf32>,
    %get3A_223 = vector.shape_cast %get3A_222 : vector<16xf32> to vector<16xf32>
    %add3A_224 = arith.addf %get3A_220, %get3A_223 : vector<16xf32>
    %get3A_225 = arith.constant 80 : index
    %get3A_226 = tpu.vector_load %arg14[%get3A_225] {strides = array<i32>} : memref<512xf32, #tpu.memory_space<vmem>>, vector<16xf32>,
    %get3A_227 = vector.shape_cast %get3A_226 : vector<16xf32> to vector<16xf32>
    %add3A_228 = arith.addf %add3A_224, %get3A_227 : vector<16xf32>
    %swap3A_229 = arith.constant 80 : index
    %swap3A_230 = tpu.vector_load %arg12[%swap3A_229] {strides = array<i32>} : memref<512xf32, #tpu.memory_space<vmem>>, vector<16xf32>,
    %swap3A_231 = vector.shape_cast %swap3A_230 : vector<16xf32> to vector<16xf32>
    %swap3A_232 = vector.shape_cast %add3A_228 : vector<16xf32> to vector<16xf32>
    tpu.vector_store %arg12[%swap3A_229], %swap3A_232 {strides = array<i32>} : memref<512xf32, #tpu.memory_space<vmem>>, vector<16xf32>,
    %get3A_233 = arith.constant 96 : index
    %get3A_234 = tpu.vector_load %arg12[%get3A_233] {strides = array<i32>} : memref<512xf32, #tpu.memory_space<vmem>>, vector<16xf32>,
    %get3A_235 = vector.shape_cast %get3A_234 : vector<16xf32> to vector<16xf32>
    %get3A_236 = arith.constant 96 : index
    %get3A_237 = tpu.vector_load %arg13[%get3A_236] {strides = array<i32>} : memref<512xf32, #tpu.memory_space<vmem>>, vector<16xf32>,
    %get3A_238 = vector.shape_cast %get3A_237 : vector<16xf32> to vector<16xf32>
    %add3A_239 = arith.addf %get3A_235, %get3A_238 : vector<16xf32>
    %get3A_240 = arith.constant 96 : index
    %get3A_241 = tpu.vector_load %arg14[%get3A_240] {strides = array<i32>} : memref<512xf32, #tpu.memory_space<vmem>>, vector<16xf32>,
    %get3A_242 = vector.shape_cast %get3A_241 : vector<16xf32> to vector<16xf32>
    %add3A_243 = arith.addf %add3A_239, %get3A_242 : vector<16xf32>
    %swap3A_244 = arith.constant 96 : index
    %swap3A_245 = tpu.vector_load %arg12[%swap3A_244] {strides = array<i32>} : memref<512xf32, #tpu.memory_space<vmem>>, vector<16xf32>,
    %swap3A_246 = vector.shape_cast %swap3A_245 : vector<16xf32> to vector<16xf32>
    %swap3A_247 = vector.shape_cast %add3A_243 : vector<16xf32> to vector<16xf32>
    tpu.vector_store %arg12[%swap3A_244], %swap3A_247 {strides = array<i32>} : memref<512xf32, #tpu.memory_space<vmem>>, vector<16xf32>,
    %get3A_248 = arith.constant 112 : index
    %get3A_249 = tpu.vector_load %arg12[%get3A_248] {strides = array<i32>} : memref<512xf32, #tpu.memory_space<vmem>>, vector<16xf32>,
    %get3A_250 = vector.shape_cast %get3A_249 : vector<16xf32> to vector<16xf32>
    %get3A_251 = arith.constant 112 : index
    %get3A_252 = tpu.vector_load %arg13[%get3A_251] {strides = array<i32>} : memref<512xf32, #tpu.memory_space<vmem>>, vector<16xf32>,
    %get3A_253 = vector.shape_cast %get3A_252 : vector<16xf32> to vector<16xf32>
    %add3A_254 = arith.addf %get3A_250, %get3A_253 : vector<16xf32>
    %get3A_255 = arith.constant 112 : index
    %get3A_256 = tpu.vector_load %arg14[%get3A_255] {strides = array<i32>} : memref<512xf32, #tpu.memory_space<vmem>>, vector<16xf32>,
    %get3A_257 = vector.shape_cast %get3A_256 : vector<16xf32> to vector<16xf32>
    %add3A_258 = arith.addf %add3A_254, %get3A_257 : vector<16xf32>
    %swap3A_259 = arith.constant 112 : index
    %swap3A_260 = tpu.vector_load %arg12[%swap3A_259] {strides = array<i32>} : memref<512xf32, #tpu.memory_space<vmem>>, vector<16xf32>,
    %swap3A_261 = vector.shape_cast %swap3A_260 : vector<16xf32> to vector<16xf32>
    %swap3A_262 = vector.shape_cast %add3A_258 : vector<16xf32> to vector<16xf32>
    tpu.vector_store %arg12[%swap3A_259], %swap3A_262 {strides = array<i32>} : memref<512xf32, #tpu.memory_space<vmem>>, vector<16xf32>,
    %get3A_263 = arith.constant 128 : index
    %get3A_264 = tpu.vector_load %arg12[%get3A_263] {strides = array<i32>} : memref<512xf32, #tpu.memory_space<vmem>>, vector<16xf32>,
    %get3A_265 = vector.shape_cast %get3A_264 : vector<16xf32> to vector<16xf32>
    %get3A_266 = arith.constant 128 : index
    %get3A_267 = tpu.vector_load %arg13[%get3A_266] {strides = array<i32>} : memref<512xf32, #tpu.memory_space<vmem>>, vector<16xf32>,
    %get3A_268 = vector.shape_cast %get3A_267 : vector<16xf32> to vector<16xf32>
    %add3A_269 = arith.addf %get3A_265, %get3A_268 : vector<16xf32>
    %get3A_270 = arith.constant 128 : index
    %get3A_271 = tpu.vector_load %arg14[%get3A_270] {strides = array<i32>} : memref<512xf32, #tpu.memory_space<vmem>>, vector<16xf32>,
    %get3A_272 = vector.shape_cast %get3A_271 : vector<16xf32> to vector<16xf32>
    %add3A_273 = arith.addf %add3A_269, %get3A_272 : vector<16xf32>
    %swap3A_274 = arith.constant 128 : index
    %swap3A_275 = tpu.vector_load %arg12[%swap3A_274] {strides = array<i32>} : memref<512xf32, #tpu.memory_space<vmem>>, vector<16xf32>,
    %swap3A_276 = vector.shape_cast %swap3A_275 : vector<16xf32> to vector<16xf32>
    %swap3A_277 = vector.shape_cast %add3A_273 : vector<16xf32> to vector<16xf32>
    tpu.vector_store %arg12[%swap3A_274], %swap3A_277 {strides = array<i32>} : memref<512xf32, #tpu.memory_space<vmem>>, vector<16xf32>,
    %get3A_278 = arith.constant 144 : index
    %get3A_279 = tpu.vector_load %arg12[%get3A_278] {strides = array<i32>} : memref<512xf32, #tpu.memory_space<vmem>>, vector<16xf32>,
    %get3A_280 = vector.shape_cast %get3A_279 : vector<16xf32> to vector<16xf32>
    %get3A_281 = arith.constant 144 : index
    %get3A_282 = tpu.vector_load %arg13[%get3A_281] {strides = array<i32>} : memref<512xf32, #tpu.memory_space<vmem>>, vector<16xf32>,
    %get3A_283 = vector.shape_cast %get3A_282 : vector<16xf32> to vector<16xf32>
    %add3A_284 = arith.addf %get3A_280, %get3A_283 : vector<16xf32>
    %get3A_285 = arith.constant 144 : index
    %get3A_286 = tpu.vector_load %arg14[%get3A_285] {strides = array<i32>} : memref<512xf32, #tpu.memory_space<vmem>>, vector<16xf32>,
    %get3A_287 = vector.shape_cast %get3A_286 : vector<16xf32> to vector<16xf32>
    %add3A_288 = arith.addf %add3A_284, %get3A_287 : vector<16xf32>
    %swap3A_289 = arith.constant 144 : index
    %swap3A_290 = tpu.vector_load %arg12[%swap3A_289] {strides = array<i32>} : memref<512xf32, #tpu.memory_space<vmem>>, vector<16xf32>,
    %swap3A_291 = vector.shape_cast %swap3A_290 : vector<16xf32> to vector<16xf32>
    %swap3A_292 = vector.shape_cast %add3A_288 : vector<16xf32> to vector<16xf32>
    tpu.vector_store %arg12[%swap3A_289], %swap3A_292 {strides = array<i32>} : memref<512xf32, #tpu.memory_space<vmem>>, vector<16xf32>,
    %get3A_293 = arith.constant 160 : index
    %get3A_294 = tpu.vector_load %arg12[%get3A_293] {strides = array<i32>} : memref<512xf32, #tpu.memory_space<vmem>>, vector<16xf32>,
    %get3A_295 = vector.shape_cast %get3A_294 : vector<16xf32> to vector<16xf32>
    %get3A_296 = arith.constant 160 : index
    %get3A_297 = tpu.vector_load %arg13[%get3A_296] {strides = array<i32>} : memref<512xf32, #tpu.memory_space<vmem>>, vector<16xf32>,
    %get3A_298 = vector.shape_cast %get3A_297 : vector<16xf32> to vector<16xf32>
    %add3A_299 = arith.addf %get3A_295, %get3A_298 : vector<16xf32>
    %get3A_300 = arith.constant 160 : index
    %get3A_301 = tpu.vector_load %arg14[%get3A_300] {strides = array<i32>} : memref<512xf32, #tpu.memory_space<vmem>>, vector<16xf32>,
    %get3A_302 = vector.shape_cast %get3A_301 : vector<16xf32> to vector<16xf32>
    %add3A_303 = arith.addf %add3A_299, %get3A_302 : vector<16xf32>
    %swap3A_304 = arith.constant 160 : index
    %swap3A_305 = tpu.vector_load %arg12[%swap3A_304] {strides = array<i32>} : memref<512xf32, #tpu.memory_space<vmem>>, vector<16xf32>,
    %swap3A_306 = vector.shape_cast %swap3A_305 : vector<16xf32> to vector<16xf32>
    %swap3A_307 = vector.shape_cast %add3A_303 : vector<16xf32> to vector<16xf32>
    tpu.vector_store %arg12[%swap3A_304], %swap3A_307 {strides = array<i32>} : memref<512xf32, #tpu.memory_space<vmem>>, vector<16xf32>,
    %get3A_308 = arith.constant 176 : index
    %get3A_309 = tpu.vector_load %arg12[%get3A_308] {strides = array<i32>} : memref<512xf32, #tpu.memory_space<vmem>>, vector<16xf32>,
    %get3A_310 = vector.shape_cast %get3A_309 : vector<16xf32> to vector<16xf32>
    %get3A_311 = arith.constant 176 : index
    %get3A_312 = tpu.vector_load %arg13[%get3A_311] {strides = array<i32>} : memref<512xf32, #tpu.memory_space<vmem>>, vector<16xf32>,
    %get3A_313 = vector.shape_cast %get3A_312 : vector<16xf32> to vector<16xf32>
    %add3A_314 = arith.addf %get3A_310, %get3A_313 : vector<16xf32>
    %get3A_315 = arith.constant 176 : index
    %get3A_316 = tpu.vector_load %arg14[%get3A_315] {strides = array<i32>} : memref<512xf32, #tpu.memory_space<vmem>>, vector<16xf32>,
    %get3A_317 = vector.shape_cast %get3A_316 : vector<16xf32> to vector<16xf32>
    %add3A_318 = arith.addf %add3A_314, %get3A_317 : vector<16xf32>
    %swap3A_319 = arith.constant 176 : index
    %swap3A_320 = tpu.vector_load %arg12[%swap3A_319] {strides = array<i32>} : memref<512xf32, #tpu.memory_space<vmem>>, vector<16xf32>,
    %swap3A_321 = vector.shape_cast %swap3A_320 : vector<16xf32> to vector<16xf32>
    %swap3A_322 = vector.shape_cast %add3A_318 : vector<16xf32> to vector<16xf32>
    tpu.vector_store %arg12[%swap3A_319], %swap3A_322 {strides = array<i32>} : memref<512xf32, #tpu.memory_space<vmem>>, vector<16xf32>,
    %get3A_323 = arith.constant 192 : index
    %get3A_324 = tpu.vector_load %arg12[%get3A_323] {strides = array<i32>} : memref<512xf32, #tpu.memory_space<vmem>>, vector<16xf32>,
    %get3A_325 = vector.shape_cast %get3A_324 : vector<16xf32> to vector<16xf32>
    %get3A_326 = arith.constant 192 : index
    %get3A_327 = tpu.vector_load %arg13[%get3A_326] {strides = array<i32>} : memref<512xf32, #tpu.memory_space<vmem>>, vector<16xf32>,
    %get3A_328 = vector.shape_cast %get3A_327 : vector<16xf32> to vector<16xf32>
    %add3A_329 = arith.addf %get3A_325, %get3A_328 : vector<16xf32>
    %get3A_330 = arith.constant 192 : index
    %get3A_331 = tpu.vector_load %arg14[%get3A_330] {strides = array<i32>} : memref<512xf32, #tpu.memory_space<vmem>>, vector<16xf32>,
    %get3A_332 = vector.shape_cast %get3A_331 : vector<16xf32> to vector<16xf32>
    %add3A_333 = arith.addf %add3A_329, %get3A_332 : vector<16xf32>
    %swap3A_334 = arith.constant 192 : index
    %swap3A_335 = tpu.vector_load %arg12[%swap3A_334] {strides = array<i32>} : memref<512xf32, #tpu.memory_space<vmem>>, vector<16xf32>,
    %swap3A_336 = vector.shape_cast %swap3A_335 : vector<16xf32> to vector<16xf32>
    %swap3A_337 = vector.shape_cast %add3A_333 : vector<16xf32> to vector<16xf32>
    tpu.vector_store %arg12[%swap3A_334], %swap3A_337 {strides = array<i32>} : memref<512xf32, #tpu.memory_space<vmem>>, vector<16xf32>,
    %get3A_338 = arith.constant 208 : index
    %get3A_339 = tpu.vector_load %arg12[%get3A_338] {strides = array<i32>} : memref<512xf32, #tpu.memory_space<vmem>>, vector<16xf32>,
    %get3A_340 = vector.shape_cast %get3A_339 : vector<16xf32> to vector<16xf32>
    %get3A_341 = arith.constant 208 : index
    %get3A_342 = tpu.vector_load %arg13[%get3A_341] {strides = array<i32>} : memref<512xf32, #tpu.memory_space<vmem>>, vector<16xf32>,
    %get3A_343 = vector.shape_cast %get3A_342 : vector<16xf32> to vector<16xf32>
    %add3A_344 = arith.addf %get3A_340, %get3A_343 : vector<16xf32>
    %get3A_345 = arith.constant 208 : index
    %get3A_346 = tpu.vector_load %arg14[%get3A_345] {strides = array<i32>} : memref<512xf32, #tpu.memory_space<vmem>>, vector<16xf32>,
    %get3A_347 = vector.shape_cast %get3A_346 : vector<16xf32> to vector<16xf32>
    %add3A_348 = arith.addf %add3A_344, %get3A_347 : vector<16xf32>
    %swap3A_349 = arith.constant 208 : index
    %swap3A_350 = tpu.vector_load %arg12[%swap3A_349] {strides = array<i32>} : memref<512xf32, #tpu.memory_space<vmem>>, vector<16xf32>,
    %swap3A_351 = vector.shape_cast %swap3A_350 : vector<16xf32> to vector<16xf32>
    %swap3A_352 = vector.shape_cast %add3A_348 : vector<16xf32> to vector<16xf32>
    tpu.vector_store %arg12[%swap3A_349], %swap3A_352 {strides = array<i32>} : memref<512xf32, #tpu.memory_space<vmem>>, vector<16xf32>,
    %get3A_353 = arith.constant 224 : index
    %get3A_354 = tpu.vector_load %arg12[%get3A_353] {strides = array<i32>} : memref<512xf32, #tpu.memory_space<vmem>>, vector<16xf32>,
    %get3A_355 = vector.shape_cast %get3A_354 : vector<16xf32> to vector<16xf32>
    %get3A_356 = arith.constant 224 : index
    %get3A_357 = tpu.vector_load %arg13[%get3A_356] {strides = array<i32>} : memref<512xf32, #tpu.memory_space<vmem>>, vector<16xf32>,
    %get3A_358 = vector.shape_cast %get3A_357 : vector<16xf32> to vector<16xf32>
    %add3A_359 = arith.addf %get3A_355, %get3A_358 : vector<16xf32>
    %get3A_360 = arith.constant 224 : index
    %get3A_361 = tpu.vector_load %arg14[%get3A_360] {strides = array<i32>} : memref<512xf32, #tpu.memory_space<vmem>>, vector<16xf32>,
    %get3A_362 = vector.shape_cast %get3A_361 : vector<16xf32> to vector<16xf32>
    %add3A_363 = arith.addf %add3A_359, %get3A_362 : vector<16xf32>
    %swap3A_364 = arith.constant 224 : index
    %swap3A_365 = tpu.vector_load %arg12[%swap3A_364] {strides = array<i32>} : memref<512xf32, #tpu.memory_space<vmem>>, vector<16xf32>,
    %swap3A_366 = vector.shape_cast %swap3A_365 : vector<16xf32> to vector<16xf32>
    %swap3A_367 = vector.shape_cast %add3A_363 : vector<16xf32> to vector<16xf32>
    tpu.vector_store %arg12[%swap3A_364], %swap3A_367 {strides = array<i32>} : memref<512xf32, #tpu.memory_space<vmem>>, vector<16xf32>,
    %get3A_368 = arith.constant 240 : index
    %get3A_369 = tpu.vector_load %arg12[%get3A_368] {strides = array<i32>} : memref<512xf32, #tpu.memory_space<vmem>>, vector<16xf32>,
    %get3A_370 = vector.shape_cast %get3A_369 : vector<16xf32> to vector<16xf32>
    %get3A_371 = arith.constant 240 : index
    %get3A_372 = tpu.vector_load %arg13[%get3A_371] {strides = array<i32>} : memref<512xf32, #tpu.memory_space<vmem>>, vector<16xf32>,
    %get3A_373 = vector.shape_cast %get3A_372 : vector<16xf32> to vector<16xf32>
    %add3A_374 = arith.addf %get3A_370, %get3A_373 : vector<16xf32>
    %get3A_375 = arith.constant 240 : index
    %get3A_376 = tpu.vector_load %arg14[%get3A_375] {strides = array<i32>} : memref<512xf32, #tpu.memory_space<vmem>>, vector<16xf32>,
    %get3A_377 = vector.shape_cast %get3A_376 : vector<16xf32> to vector<16xf32>
    %add3A_378 = arith.addf %add3A_374, %get3A_377 : vector<16xf32>
    %swap3A_379 = arith.constant 240 : index
    %swap3A_380 = tpu.vector_load %arg12[%swap3A_379] {strides = array<i32>} : memref<512xf32, #tpu.memory_space<vmem>>, vector<16xf32>,
    %swap3A_381 = vector.shape_cast %swap3A_380 : vector<16xf32> to vector<16xf32>
    %swap3A_382 = vector.shape_cast %add3A_378 : vector<16xf32> to vector<16xf32>
    tpu.vector_store %arg12[%swap3A_379], %swap3A_382 {strides = array<i32>} : memref<512xf32, #tpu.memory_space<vmem>>, vector<16xf32>,
    %get3A_383 = arith.constant 256 : index
    %get3A_384 = tpu.vector_load %arg12[%get3A_383] {strides = array<i32>} : memref<512xf32, #tpu.memory_space<vmem>>, vector<16xf32>,
    %get3A_385 = vector.shape_cast %get3A_384 : vector<16xf32> to vector<16xf32>
    %get3A_386 = arith.constant 256 : index
    %get3A_387 = tpu.vector_load %arg13[%get3A_386] {strides = array<i32>} : memref<512xf32, #tpu.memory_space<vmem>>, vector<16xf32>,
    %get3A_388 = vector.shape_cast %get3A_387 : vector<16xf32> to vector<16xf32>
    %add3A_389 = arith.addf %get3A_385, %get3A_388 : vector<16xf32>
    %get3A_390 = arith.constant 256 : index
    %get3A_391 = tpu.vector_load %arg14[%get3A_390] {strides = array<i32>} : memref<512xf32, #tpu.memory_space<vmem>>, vector<16xf32>,
    %get3A_392 = vector.shape_cast %get3A_391 : vector<16xf32> to vector<16xf32>
    %add3A_393 = arith.addf %add3A_389, %get3A_392 : vector<16xf32>
    %swap3A_394 = arith.constant 256 : index
    %swap3A_395 = tpu.vector_load %arg12[%swap3A_394] {strides = array<i32>} : memref<512xf32, #tpu.memory_space<vmem>>, vector<16xf32>,
    %swap3A_396 = vector.shape_cast %swap3A_395 : vector<16xf32> to vector<16xf32>
    %swap3A_397 = vector.shape_cast %add3A_393 : vector<16xf32> to vector<16xf32>
    tpu.vector_store %arg12[%swap3A_394], %swap3A_397 {strides = array<i32>} : memref<512xf32, #tpu.memory_space<vmem>>, vector<16xf32>,
    %get3A_398 = arith.constant 272 : index
    %get3A_399 = tpu.vector_load %arg12[%get3A_398] {strides = array<i32>} : memref<512xf32, #tpu.memory_space<vmem>>, vector<16xf32>,
    %get3A_400 = vector.shape_cast %get3A_399 : vector<16xf32> to vector<16xf32>
    %get3A_401 = arith.constant 272 : index
    %get3A_402 = tpu.vector_load %arg13[%get3A_401] {strides = array<i32>} : memref<512xf32, #tpu.memory_space<vmem>>, vector<16xf32>,
    %get3A_403 = vector.shape_cast %get3A_402 : vector<16xf32> to vector<16xf32>
    %add3A_404 = arith.addf %get3A_400, %get3A_403 : vector<16xf32>
    %get3A_405 = arith.constant 272 : index
    %get3A_406 = tpu.vector_load %arg14[%get3A_405] {strides = array<i32>} : memref<512xf32, #tpu.memory_space<vmem>>, vector<16xf32>,
    %get3A_407 = vector.shape_cast %get3A_406 : vector<16xf32> to vector<16xf32>
    %add3A_408 = arith.addf %add3A_404, %get3A_407 : vector<16xf32>
    %swap3A_409 = arith.constant 272 : index
    %swap3A_410 = tpu.vector_load %arg12[%swap3A_409] {strides = array<i32>} : memref<512xf32, #tpu.memory_space<vmem>>, vector<16xf32>,
    %swap3A_411 = vector.shape_cast %swap3A_410 : vector<16xf32> to vector<16xf32>
    %swap3A_412 = vector.shape_cast %add3A_408 : vector<16xf32> to vector<16xf32>
    tpu.vector_store %arg12[%swap3A_409], %swap3A_412 {strides = array<i32>} : memref<512xf32, #tpu.memory_space<vmem>>, vector<16xf32>,
    %get3A_413 = arith.constant 288 : index
    %get3A_414 = tpu.vector_load %arg12[%get3A_413] {strides = array<i32>} : memref<512xf32, #tpu.memory_space<vmem>>, vector<16xf32>,
    %get3A_415 = vector.shape_cast %get3A_414 : vector<16xf32> to vector<16xf32>
    %get3A_416 = arith.constant 288 : index
    %get3A_417 = tpu.vector_load %arg13[%get3A_416] {strides = array<i32>} : memref<512xf32, #tpu.memory_space<vmem>>, vector<16xf32>,
    %get3A_418 = vector.shape_cast %get3A_417 : vector<16xf32> to vector<16xf32>
    %add3A_419 = arith.addf %get3A_415, %get3A_418 : vector<16xf32>
    %get3A_420 = arith.constant 288 : index
    %get3A_421 = tpu.vector_load %arg14[%get3A_420] {strides = array<i32>} : memref<512xf32, #tpu.memory_space<vmem>>, vector<16xf32>,
    %get3A_422 = vector.shape_cast %get3A_421 : vector<16xf32> to vector<16xf32>
    %add3A_423 = arith.addf %add3A_419, %get3A_422 : vector<16xf32>
    %swap3A_424 = arith.constant 288 : index
    %swap3A_425 = tpu.vector_load %arg12[%swap3A_424] {strides = array<i32>} : memref<512xf32, #tpu.memory_space<vmem>>, vector<16xf32>,
    %swap3A_426 = vector.shape_cast %swap3A_425 : vector<16xf32> to vector<16xf32>
    %swap3A_427 = vector.shape_cast %add3A_423 : vector<16xf32> to vector<16xf32>
    tpu.vector_store %arg12[%swap3A_424], %swap3A_427 {strides = array<i32>} : memref<512xf32, #tpu.memory_space<vmem>>, vector<16xf32>,
    %get3A_428 = arith.constant 304 : index
    %get3A_429 = tpu.vector_load %arg12[%get3A_428] {strides = array<i32>} : memref<512xf32, #tpu.memory_space<vmem>>, vector<16xf32>,
    %get3A_430 = vector.shape_cast %get3A_429 : vector<16xf32> to vector<16xf32>
    %get3A_431 = arith.constant 304 : index
    %get3A_432 = tpu.vector_load %arg13[%get3A_431] {strides = array<i32>} : memref<512xf32, #tpu.memory_space<vmem>>, vector<16xf32>,
    %get3A_433 = vector.shape_cast %get3A_432 : vector<16xf32> to vector<16xf32>
    %add3A_434 = arith.addf %get3A_430, %get3A_433 : vector<16xf32>
    %get3A_435 = arith.constant 304 : index
    %get3A_436 = tpu.vector_load %arg14[%get3A_435] {strides = array<i32>} : memref<512xf32, #tpu.memory_space<vmem>>, vector<16xf32>,
    %get3A_437 = vector.shape_cast %get3A_436 : vector<16xf32> to vector<16xf32>
    %add3A_438 = arith.addf %add3A_434, %get3A_437 : vector<16xf32>
    %swap3A_439 = arith.constant 304 : index
    %swap3A_440 = tpu.vector_load %arg12[%swap3A_439] {strides = array<i32>} : memref<512xf32, #tpu.memory_space<vmem>>, vector<16xf32>,
    %swap3A_441 = vector.shape_cast %swap3A_440 : vector<16xf32> to vector<16xf32>
    %swap3A_442 = vector.shape_cast %add3A_438 : vector<16xf32> to vector<16xf32>
    tpu.vector_store %arg12[%swap3A_439], %swap3A_442 {strides = array<i32>} : memref<512xf32, #tpu.memory_space<vmem>>, vector<16xf32>,
    %get3A_443 = arith.constant 320 : index
    %get3A_444 = tpu.vector_load %arg12[%get3A_443] {strides = array<i32>} : memref<512xf32, #tpu.memory_space<vmem>>, vector<16xf32>,
    %get3A_445 = vector.shape_cast %get3A_444 : vector<16xf32> to vector<16xf32>
    %get3A_446 = arith.constant 320 : index
    %get3A_447 = tpu.vector_load %arg13[%get3A_446] {strides = array<i32>} : memref<512xf32, #tpu.memory_space<vmem>>, vector<16xf32>,
    %get3A_448 = vector.shape_cast %get3A_447 : vector<16xf32> to vector<16xf32>
    %add3A_449 = arith.addf %get3A_445, %get3A_448 : vector<16xf32>
    %get3A_450 = arith.constant 320 : index
    %get3A_451 = tpu.vector_load %arg14[%get3A_450] {strides = array<i32>} : memref<512xf32, #tpu.memory_space<vmem>>, vector<16xf32>,
    %get3A_452 = vector.shape_cast %get3A_451 : vector<16xf32> to vector<16xf32>
    %add3A_453 = arith.addf %add3A_449, %get3A_452 : vector<16xf32>
    %swap3A_454 = arith.constant 320 : index
    %swap3A_455 = tpu.vector_load %arg12[%swap3A_454] {strides = array<i32>} : memref<512xf32, #tpu.memory_space<vmem>>, vector<16xf32>,
    %swap3A_456 = vector.shape_cast %swap3A_455 : vector<16xf32> to vector<16xf32>
    %swap3A_457 = vector.shape_cast %add3A_453 : vector<16xf32> to vector<16xf32>
    tpu.vector_store %arg12[%swap3A_454], %swap3A_457 {strides = array<i32>} : memref<512xf32, #tpu.memory_space<vmem>>, vector<16xf32>,
    %get3A_458 = arith.constant 336 : index
    %get3A_459 = tpu.vector_load %arg12[%get3A_458] {strides = array<i32>} : memref<512xf32, #tpu.memory_space<vmem>>, vector<16xf32>,
    %get3A_460 = vector.shape_cast %get3A_459 : vector<16xf32> to vector<16xf32>
    %get3A_461 = arith.constant 336 : index
    %get3A_462 = tpu.vector_load %arg13[%get3A_461] {strides = array<i32>} : memref<512xf32, #tpu.memory_space<vmem>>, vector<16xf32>,
    %get3A_463 = vector.shape_cast %get3A_462 : vector<16xf32> to vector<16xf32>
    %add3A_464 = arith.addf %get3A_460, %get3A_463 : vector<16xf32>
    %get3A_465 = arith.constant 336 : index
    %get3A_466 = tpu.vector_load %arg14[%get3A_465] {strides = array<i32>} : memref<512xf32, #tpu.memory_space<vmem>>, vector<16xf32>,
    %get3A_467 = vector.shape_cast %get3A_466 : vector<16xf32> to vector<16xf32>
    %add3A_468 = arith.addf %add3A_464, %get3A_467 : vector<16xf32>
    %swap3A_469 = arith.constant 336 : index
    %swap3A_470 = tpu.vector_load %arg12[%swap3A_469] {strides = array<i32>} : memref<512xf32, #tpu.memory_space<vmem>>, vector<16xf32>,
    %swap3A_471 = vector.shape_cast %swap3A_470 : vector<16xf32> to vector<16xf32>
    %swap3A_472 = vector.shape_cast %add3A_468 : vector<16xf32> to vector<16xf32>
    tpu.vector_store %arg12[%swap3A_469], %swap3A_472 {strides = array<i32>} : memref<512xf32, #tpu.memory_space<vmem>>, vector<16xf32>,
    %get3A_473 = arith.constant 352 : index
    %get3A_474 = tpu.vector_load %arg12[%get3A_473] {strides = array<i32>} : memref<512xf32, #tpu.memory_space<vmem>>, vector<16xf32>,
    %get3A_475 = vector.shape_cast %get3A_474 : vector<16xf32> to vector<16xf32>
    %get3A_476 = arith.constant 352 : index
    %get3A_477 = tpu.vector_load %arg13[%get3A_476] {strides = array<i32>} : memref<512xf32, #tpu.memory_space<vmem>>, vector<16xf32>,
    %get3A_478 = vector.shape_cast %get3A_477 : vector<16xf32> to vector<16xf32>
    %add3A_479 = arith.addf %get3A_475, %get3A_478 : vector<16xf32>
    %get3A_480 = arith.constant 352 : index
    %get3A_481 = tpu.vector_load %arg14[%get3A_480] {strides = array<i32>} : memref<512xf32, #tpu.memory_space<vmem>>, vector<16xf32>,
    %get3A_482 = vector.shape_cast %get3A_481 : vector<16xf32> to vector<16xf32>
    %add3A_483 = arith.addf %add3A_479, %get3A_482 : vector<16xf32>
    %swap3A_484 = arith.constant 352 : index
    %swap3A_485 = tpu.vector_load %arg12[%swap3A_484] {strides = array<i32>} : memref<512xf32, #tpu.memory_space<vmem>>, vector<16xf32>,
    %swap3A_486 = vector.shape_cast %swap3A_485 : vector<16xf32> to vector<16xf32>
    %swap3A_487 = vector.shape_cast %add3A_483 : vector<16xf32> to vector<16xf32>
    tpu.vector_store %arg12[%swap3A_484], %swap3A_487 {strides = array<i32>} : memref<512xf32, #tpu.memory_space<vmem>>, vector<16xf32>,
    %get3A_488 = arith.constant 368 : index
    %get3A_489 = tpu.vector_load %arg12[%get3A_488] {strides = array<i32>} : memref<512xf32, #tpu.memory_space<vmem>>, vector<16xf32>,
    %get3A_490 = vector.shape_cast %get3A_489 : vector<16xf32> to vector<16xf32>
    %get3A_491 = arith.constant 368 : index
    %get3A_492 = tpu.vector_load %arg13[%get3A_491] {strides = array<i32>} : memref<512xf32, #tpu.memory_space<vmem>>, vector<16xf32>,
    %get3A_493 = vector.shape_cast %get3A_492 : vector<16xf32> to vector<16xf32>
    %add3A_494 = arith.addf %get3A_490, %get3A_493 : vector<16xf32>
    %get3A_495 = arith.constant 368 : index
    %get3A_496 = tpu.vector_load %arg14[%get3A_495] {strides = array<i32>} : memref<512xf32, #tpu.memory_space<vmem>>, vector<16xf32>,
    %get3A_497 = vector.shape_cast %get3A_496 : vector<16xf32> to vector<16xf32>
    %add3A_498 = arith.addf %add3A_494, %get3A_497 : vector<16xf32>
    %swap3A_499 = arith.constant 368 : index
    %swap3A_500 = tpu.vector_load %arg12[%swap3A_499] {strides = array<i32>} : memref<512xf32, #tpu.memory_space<vmem>>, vector<16xf32>,
    %swap3A_501 = vector.shape_cast %swap3A_500 : vector<16xf32> to vector<16xf32>
    %swap3A_502 = vector.shape_cast %add3A_498 : vector<16xf32> to vector<16xf32>
    tpu.vector_store %arg12[%swap3A_499], %swap3A_502 {strides = array<i32>} : memref<512xf32, #tpu.memory_space<vmem>>, vector<16xf32>,
    %get3A_503 = arith.constant 384 : index
    %get3A_504 = tpu.vector_load %arg12[%get3A_503] {strides = array<i32>} : memref<512xf32, #tpu.memory_space<vmem>>, vector<16xf32>,
    %get3A_505 = vector.shape_cast %get3A_504 : vector<16xf32> to vector<16xf32>
    %get3A_506 = arith.constant 384 : index
    %get3A_507 = tpu.vector_load %arg13[%get3A_506] {strides = array<i32>} : memref<512xf32, #tpu.memory_space<vmem>>, vector<16xf32>,
    %get3A_508 = vector.shape_cast %get3A_507 : vector<16xf32> to vector<16xf32>
    %add3A_509 = arith.addf %get3A_505, %get3A_508 : vector<16xf32>
    %get3A_510 = arith.constant 384 : index
    %get3A_511 = tpu.vector_load %arg14[%get3A_510] {strides = array<i32>} : memref<512xf32, #tpu.memory_space<vmem>>, vector<16xf32>,
    %get3A_512 = vector.shape_cast %get3A_511 : vector<16xf32> to vector<16xf32>
    %add3A_513 = arith.addf %add3A_509, %get3A_512 : vector<16xf32>
    %swap3A_514 = arith.constant 384 : index
    %swap3A_515 = tpu.vector_load %arg12[%swap3A_514] {strides = array<i32>} : memref<512xf32, #tpu.memory_space<vmem>>, vector<16xf32>,
    %swap3A_516 = vector.shape_cast %swap3A_515 : vector<16xf32> to vector<16xf32>
    %swap3A_517 = vector.shape_cast %add3A_513 : vector<16xf32> to vector<16xf32>
    tpu.vector_store %arg12[%swap3A_514], %swap3A_517 {strides = array<i32>} : memref<512xf32, #tpu.memory_space<vmem>>, vector<16xf32>,
    %get3A_518 = arith.constant 400 : index
    %get3A_519 = tpu.vector_load %arg12[%get3A_518] {strides = array<i32>} : memref<512xf32, #tpu.memory_space<vmem>>, vector<16xf32>,
    %get3A_520 = vector.shape_cast %get3A_519 : vector<16xf32> to vector<16xf32>
    %get3A_521 = arith.constant 400 : index
    %get3A_522 = tpu.vector_load %arg13[%get3A_521] {strides = array<i32>} : memref<512xf32, #tpu.memory_space<vmem>>, vector<16xf32>,
    %get3A_523 = vector.shape_cast %get3A_522 : vector<16xf32> to vector<16xf32>
    %add3A_524 = arith.addf %get3A_520, %get3A_523 : vector<16xf32>
    %get3A_525 = arith.constant 400 : index
    %get3A_526 = tpu.vector_load %arg14[%get3A_525] {strides = array<i32>} : memref<512xf32, #tpu.memory_space<vmem>>, vector<16xf32>,
    %get3A_527 = vector.shape_cast %get3A_526 : vector<16xf32> to vector<16xf32>
    %add3A_528 = arith.addf %add3A_524, %get3A_527 : vector<16xf32>
    %swap3A_529 = arith.constant 400 : index
    %swap3A_530 = tpu.vector_load %arg12[%swap3A_529] {strides = array<i32>} : memref<512xf32, #tpu.memory_space<vmem>>, vector<16xf32>,
    %swap3A_531 = vector.shape_cast %swap3A_530 : vector<16xf32> to vector<16xf32>
    %swap3A_532 = vector.shape_cast %add3A_528 : vector<16xf32> to vector<16xf32>
    tpu.vector_store %arg12[%swap3A_529], %swap3A_532 {strides = array<i32>} : memref<512xf32, #tpu.memory_space<vmem>>, vector<16xf32>,
    %get3A_533 = arith.constant 416 : index
    %get3A_534 = tpu.vector_load %arg12[%get3A_533] {strides = array<i32>} : memref<512xf32, #tpu.memory_space<vmem>>, vector<16xf32>,
    %get3A_535 = vector.shape_cast %get3A_534 : vector<16xf32> to vector<16xf32>
    %get3A_536 = arith.constant 416 : index
    %get3A_537 = tpu.vector_load %arg13[%get3A_536] {strides = array<i32>} : memref<512xf32, #tpu.memory_space<vmem>>, vector<16xf32>,
    %get3A_538 = vector.shape_cast %get3A_537 : vector<16xf32> to vector<16xf32>
    %add3A_539 = arith.addf %get3A_535, %get3A_538 : vector<16xf32>
    %get3A_540 = arith.constant 416 : index
    %get3A_541 = tpu.vector_load %arg14[%get3A_540] {strides = array<i32>} : memref<512xf32, #tpu.memory_space<vmem>>, vector<16xf32>,
    %get3A_542 = vector.shape_cast %get3A_541 : vector<16xf32> to vector<16xf32>
    %add3A_543 = arith.addf %add3A_539, %get3A_542 : vector<16xf32>
    %swap3A_544 = arith.constant 416 : index
    %swap3A_545 = tpu.vector_load %arg12[%swap3A_544] {strides = array<i32>} : memref<512xf32, #tpu.memory_space<vmem>>, vector<16xf32>,
    %swap3A_546 = vector.shape_cast %swap3A_545 : vector<16xf32> to vector<16xf32>
    %swap3A_547 = vector.shape_cast %add3A_543 : vector<16xf32> to vector<16xf32>
    tpu.vector_store %arg12[%swap3A_544], %swap3A_547 {strides = array<i32>} : memref<512xf32, #tpu.memory_space<vmem>>, vector<16xf32>,
    %get3A_548 = arith.constant 432 : index
    %get3A_549 = tpu.vector_load %arg12[%get3A_548] {strides = array<i32>} : memref<512xf32, #tpu.memory_space<vmem>>, vector<16xf32>,
    %get3A_550 = vector.shape_cast %get3A_549 : vector<16xf32> to vector<16xf32>
    %get3A_551 = arith.constant 432 : index
    %get3A_552 = tpu.vector_load %arg13[%get3A_551] {strides = array<i32>} : memref<512xf32, #tpu.memory_space<vmem>>, vector<16xf32>,
    %get3A_553 = vector.shape_cast %get3A_552 : vector<16xf32> to vector<16xf32>
    %add3A_554 = arith.addf %get3A_550, %get3A_553 : vector<16xf32>
    %get3A_555 = arith.constant 432 : index
    %get3A_556 = tpu.vector_load %arg14[%get3A_555] {strides = array<i32>} : memref<512xf32, #tpu.memory_space<vmem>>, vector<16xf32>,
    %get3A_557 = vector.shape_cast %get3A_556 : vector<16xf32> to vector<16xf32>
    %add3A_558 = arith.addf %add3A_554, %get3A_557 : vector<16xf32>
    %swap3A_559 = arith.constant 432 : index
    %swap3A_560 = tpu.vector_load %arg12[%swap3A_559] {strides = array<i32>} : memref<512xf32, #tpu.memory_space<vmem>>, vector<16xf32>,
    %swap3A_561 = vector.shape_cast %swap3A_560 : vector<16xf32> to vector<16xf32>
    %swap3A_562 = vector.shape_cast %add3A_558 : vector<16xf32> to vector<16xf32>
    tpu.vector_store %arg12[%swap3A_559], %swap3A_562 {strides = array<i32>} : memref<512xf32, #tpu.memory_space<vmem>>, vector<16xf32>,
    %get3A_563 = arith.constant 448 : index
    %get3A_564 = tpu.vector_load %arg12[%get3A_563] {strides = array<i32>} : memref<512xf32, #tpu.memory_space<vmem>>, vector<16xf32>,
    %get3A_565 = vector.shape_cast %get3A_564 : vector<16xf32> to vector<16xf32>
    %get3A_566 = arith.constant 448 : index
    %get3A_567 = tpu.vector_load %arg13[%get3A_566] {strides = array<i32>} : memref<512xf32, #tpu.memory_space<vmem>>, vector<16xf32>,
    %get3A_568 = vector.shape_cast %get3A_567 : vector<16xf32> to vector<16xf32>
    %add3A_569 = arith.addf %get3A_565, %get3A_568 : vector<16xf32>
    %get3A_570 = arith.constant 448 : index
    %get3A_571 = tpu.vector_load %arg14[%get3A_570] {strides = array<i32>} : memref<512xf32, #tpu.memory_space<vmem>>, vector<16xf32>,
    %get3A_572 = vector.shape_cast %get3A_571 : vector<16xf32> to vector<16xf32>
    %add3A_573 = arith.addf %add3A_569, %get3A_572 : vector<16xf32>
    %swap3A_574 = arith.constant 448 : index
    %swap3A_575 = tpu.vector_load %arg12[%swap3A_574] {strides = array<i32>} : memref<512xf32, #tpu.memory_space<vmem>>, vector<16xf32>,
    %swap3A_576 = vector.shape_cast %swap3A_575 : vector<16xf32> to vector<16xf32>
    %swap3A_577 = vector.shape_cast %add3A_573 : vector<16xf32> to vector<16xf32>
    tpu.vector_store %arg12[%swap3A_574], %swap3A_577 {strides = array<i32>} : memref<512xf32, #tpu.memory_space<vmem>>, vector<16xf32>,
    %get3A_578 = arith.constant 464 : index
    %get3A_579 = tpu.vector_load %arg12[%get3A_578] {strides = array<i32>} : memref<512xf32, #tpu.memory_space<vmem>>, vector<16xf32>,
    %get3A_580 = vector.shape_cast %get3A_579 : vector<16xf32> to vector<16xf32>
    %get3A_581 = arith.constant 464 : index
    %get3A_582 = tpu.vector_load %arg13[%get3A_581] {strides = array<i32>} : memref<512xf32, #tpu.memory_space<vmem>>, vector<16xf32>,
    %get3A_583 = vector.shape_cast %get3A_582 : vector<16xf32> to vector<16xf32>
    %add3A_584 = arith.addf %get3A_580, %get3A_583 : vector<16xf32>
    %get3A_585 = arith.constant 464 : index
    %get3A_586 = tpu.vector_load %arg14[%get3A_585] {strides = array<i32>} : memref<512xf32, #tpu.memory_space<vmem>>, vector<16xf32>,
    %get3A_587 = vector.shape_cast %get3A_586 : vector<16xf32> to vector<16xf32>
    %add3A_588 = arith.addf %add3A_584, %get3A_587 : vector<16xf32>
    %swap3A_589 = arith.constant 464 : index
    %swap3A_590 = tpu.vector_load %arg12[%swap3A_589] {strides = array<i32>} : memref<512xf32, #tpu.memory_space<vmem>>, vector<16xf32>,
    %swap3A_591 = vector.shape_cast %swap3A_590 : vector<16xf32> to vector<16xf32>
    %swap3A_592 = vector.shape_cast %add3A_588 : vector<16xf32> to vector<16xf32>
    tpu.vector_store %arg12[%swap3A_589], %swap3A_592 {strides = array<i32>} : memref<512xf32, #tpu.memory_space<vmem>>, vector<16xf32>,
    %get3A_593 = arith.constant 480 : index
    %get3A_594 = tpu.vector_load %arg12[%get3A_593] {strides = array<i32>} : memref<512xf32, #tpu.memory_space<vmem>>, vector<16xf32>,
    %get3A_595 = vector.shape_cast %get3A_594 : vector<16xf32> to vector<16xf32>
    %get3A_596 = arith.constant 480 : index
    %get3A_597 = tpu.vector_load %arg13[%get3A_596] {strides = array<i32>} : memref<512xf32, #tpu.memory_space<vmem>>, vector<16xf32>,
    %get3A_598 = vector.shape_cast %get3A_597 : vector<16xf32> to vector<16xf32>
    %add3A_599 = arith.addf %get3A_595, %get3A_598 : vector<16xf32>
    %get3A_600 = arith.constant 480 : index
    %get3A_601 = tpu.vector_load %arg14[%get3A_600] {strides = array<i32>} : memref<512xf32, #tpu.memory_space<vmem>>, vector<16xf32>,
    %get3A_602 = vector.shape_cast %get3A_601 : vector<16xf32> to vector<16xf32>
    %add3A_603 = arith.addf %add3A_599, %get3A_602 : vector<16xf32>
    %swap3A_604 = arith.constant 480 : index
    %swap3A_605 = tpu.vector_load %arg12[%swap3A_604] {strides = array<i32>} : memref<512xf32, #tpu.memory_space<vmem>>, vector<16xf32>,
    %swap3A_606 = vector.shape_cast %swap3A_605 : vector<16xf32> to vector<16xf32>
    %swap3A_607 = vector.shape_cast %add3A_603 : vector<16xf32> to vector<16xf32>
    tpu.vector_store %arg12[%swap3A_604], %swap3A_607 {strides = array<i32>} : memref<512xf32, #tpu.memory_space<vmem>>, vector<16xf32>,
    %get3A_608 = arith.constant 496 : index
    %get3A_609 = tpu.vector_load %arg12[%get3A_608] {strides = array<i32>} : memref<512xf32, #tpu.memory_space<vmem>>, vector<16xf32>,
    %get3A_610 = vector.shape_cast %get3A_609 : vector<16xf32> to vector<16xf32>
    %get3A_611 = arith.constant 496 : index
    %get3A_612 = tpu.vector_load %arg13[%get3A_611] {strides = array<i32>} : memref<512xf32, #tpu.memory_space<vmem>>, vector<16xf32>,
    %get3A_613 = vector.shape_cast %get3A_612 : vector<16xf32> to vector<16xf32>
    %add3A_614 = arith.addf %get3A_610, %get3A_613 : vector<16xf32>
    %get3A_615 = arith.constant 496 : index
    %get3A_616 = tpu.vector_load %arg14[%get3A_615] {strides = array<i32>} : memref<512xf32, #tpu.memory_space<vmem>>, vector<16xf32>,
    %get3A_617 = vector.shape_cast %get3A_616 : vector<16xf32> to vector<16xf32>
    %add3A_618 = arith.addf %add3A_614, %get3A_617 : vector<16xf32>
    %swap3A_619 = arith.constant 496 : index
    %swap3A_620 = tpu.vector_load %arg12[%swap3A_619] {strides = array<i32>} : memref<512xf32, #tpu.memory_space<vmem>>, vector<16xf32>,
    %swap3A_621 = vector.shape_cast %swap3A_620 : vector<16xf32> to vector<16xf32>
    %swap3A_622 = vector.shape_cast %add3A_618 : vector<16xf32> to vector<16xf32>
    tpu.vector_store %arg12[%swap3A_619], %swap3A_622 {strides = array<i32>} : memref<512xf32, #tpu.memory_space<vmem>>, vector<16xf32>,
    "tpu.region"() ({
      %run_scoped3A = tpu.sem_alloc : memref<!tpu.dma_semaphore, #tpu.memory_space<semaphore_mem>>
      %dma_start3A_623 = tpu.memref_slice %arg8[%mul3A_2] : memref<16384xf32, #tpu.memory_space<hbm>> -> memref<512xf32, #tpu.memory_space<hbm>>
      %dma_start3A_624 = tpu.memref_slice %arg8[%mul3A_2] : memref<16384xf32, #tpu.memory_space<hbm>> -> memref<512xf32, #tpu.memory_space<hbm>>
      tpu.enqueue_dma source(%arg12 : memref<512xf32, #tpu.memory_space<vmem>>) target(%dma_start3A_624 : memref<512xf32, #tpu.memory_space<hbm>>) target_semaphore(%run_scoped3A : memref<!tpu.dma_semaphore, #tpu.memory_space<semaphore_mem>>)
      %dma_wait3A_625 = tpu.memref_slice %arg8[%mul3A_2] : memref<16384xf32, #tpu.memory_space<hbm>> -> memref<512xf32, #tpu.memory_space<hbm>>
      %dma_wait3A_626 = tpu.memref_slice %arg8[%mul3A_2] : memref<16384xf32, #tpu.memory_space<hbm>> -> memref<512xf32, #tpu.memory_space<hbm>>
      tpu.wait_dma2 semaphore(%run_scoped3A : memref<!tpu.dma_semaphore, #tpu.memory_space<semaphore_mem>>) src(%arg12 : memref<512xf32, #tpu.memory_space<vmem>>) dst(%dma_wait3A_626 : memref<512xf32, #tpu.memory_space<hbm>>)
      tpu.yield
    }) : () -> ()
    return
  }
}

module attributes {stable_mosaic.version = 14 : i64} {
  func.func @_matvec_body(%arg0: i32, %arg1: memref<1x32x12800xf32, #tpu.memory_space<vmem>>, %arg2: memref<1x32x12800xf32, #tpu.memory_space<vmem>>, %arg3: memref<1x32x12800xf32, #tpu.memory_space<vmem>>, %arg4: memref<1x32x12800xf32, #tpu.memory_space<vmem>>, %arg5: memref<3x64xf32, #tpu.memory_space<vmem>>, %arg6: memref<1xf32, #tpu.memory_space<smem>>, %arg7: memref<1x1x12800xf32, #tpu.memory_space<vmem>>, %arg8: memref<1x1x12800xf32, #tpu.memory_space<vmem>>, %arg9: memref<1x1x12800xf32, #tpu.memory_space<vmem>>) attributes {dimension_semantics = [#tpu.dimension_semantics<arbitrary>], iteration_bounds = array<i64: 8>, scalar_prefetch = 0 : i64, scratch_operands = 0 : i64, tpu.core_type = #tpu.core_type<tc>, window_params = [{transform_indices = @transform_0, window_bounds = array<i64: 1, 32, 12800>}, {transform_indices = @transform_1, window_bounds = array<i64: 1, 32, 12800>}, {transform_indices = @transform_2, window_bounds = array<i64: 1, 32, 12800>}, {transform_indices = @transform_3, window_bounds = array<i64: 1, 32, 12800>}, {pipeline_mode = #tpu.pipeline_mode<synchronous>, transform_indices = @transform_4, window_bounds = array<i64: 3, 64>}, {transform_indices = @transform_5, window_bounds = array<i64: 1>}, {transform_indices = @transform_6, window_bounds = array<i64: 1, 1, 12800>}, {transform_indices = @transform_7, window_bounds = array<i64: 1, 1, 12800>}, {transform_indices = @transform_8, window_bounds = array<i64: 1, 1, 12800>}]} {
    %get3A = arith.constant 0 : index
    %get3A_0 = arith.constant 0 : index
    %get3A_1 = arith.constant 0 : index
    %get3A_2 = vector.load %arg1[%get3A, %get3A_0, %get3A_1] : memref<1x32x12800xf32, #tpu.memory_space<vmem>>, vector<1x32x12800xf32>
    %reshape3A = vector.shape_cast %get3A_2 : vector<1x32x12800xf32> to vector<32x12800xf32>
    %get3A_3 = arith.constant 0 : index
    %get3A_4 = arith.constant 0 : index
    %get3A_5 = arith.constant 0 : index
    %get3A_6 = vector.load %arg2[%get3A_3, %get3A_4, %get3A_5] : memref<1x32x12800xf32, #tpu.memory_space<vmem>>, vector<1x32x12800xf32>
    %reshape3A_7 = vector.shape_cast %get3A_6 : vector<1x32x12800xf32> to vector<32x12800xf32>
    %get3A_8 = arith.constant 0 : index
    %get3A_9 = arith.constant 0 : index
    %get3A_10 = arith.constant 0 : index
    %get3A_11 = vector.load %arg3[%get3A_8, %get3A_9, %get3A_10] : memref<1x32x12800xf32, #tpu.memory_space<vmem>>, vector<1x32x12800xf32>
    %reshape3A_12 = vector.shape_cast %get3A_11 : vector<1x32x12800xf32> to vector<32x12800xf32>
    %get3A_13 = arith.constant 0 : index
    %get3A_14 = arith.constant 0 : index
    %get3A_15 = arith.constant 0 : index
    %get3A_16 = vector.load %arg4[%get3A_13, %get3A_14, %get3A_15] : memref<1x32x12800xf32, #tpu.memory_space<vmem>>, vector<1x32x12800xf32>
    %reshape3A_17 = vector.shape_cast %get3A_16 : vector<1x32x12800xf32> to vector<32x12800xf32>
    %get3A_18 = arith.constant 0 : index
    %get3A_19 = arith.constant 0 : index
    %get3A_20 = vector.load %arg5[%get3A_18, %get3A_19] : memref<3x64xf32, #tpu.memory_space<vmem>>, vector<3x64xf32>
    %slice3A = vector.extract_strided_slice %get3A_20 {offsets = [0, 0], sizes = [2, 32], strides = [1, 1]} : vector<3x64xf32> to vector<2x32xf32>
    %dot_general3A = arith.constant dense<0.000000e+00> : vector<2x12800xf32>
    %dot_general3A_21 = tpu.matmul %slice3A, %reshape3A, %dot_general3A {dimension_numbers = #tpu.dot_dimension_numbers<[1], [0], [0], [1], [0, 0, 1, 1], [], []>, transpose_lhs_hint = false} : vector<2x32xf32>, vector<32x12800xf32>, vector<2x12800xf32> -> vector<2x12800xf32>
    %slice3A_22 = vector.extract_strided_slice %get3A_20 {offsets = [0, 32], sizes = [2, 32], strides = [1, 1]} : vector<3x64xf32> to vector<2x32xf32>
    %dot_general3A_23 = arith.constant dense<0.000000e+00> : vector<2x12800xf32>
    %dot_general3A_24 = tpu.matmul %slice3A_22, %reshape3A_7, %dot_general3A_23 {dimension_numbers = #tpu.dot_dimension_numbers<[1], [0], [0], [1], [0, 0, 1, 1], [], []>, transpose_lhs_hint = false} : vector<2x32xf32>, vector<32x12800xf32>, vector<2x12800xf32> -> vector<2x12800xf32>
    %add3A = arith.addf %dot_general3A_21, %dot_general3A_24 : vector<2x12800xf32>
    %slice3A_25 = vector.extract_strided_slice %get3A_20 {offsets = [2, 0], sizes = [1, 32], strides = [1, 1]} : vector<3x64xf32> to vector<1x32xf32>
    %dot_general3A_26 = arith.constant dense<0.000000e+00> : vector<1x12800xf32>
    %dot_general3A_27 = tpu.matmul %slice3A_25, %reshape3A_12, %dot_general3A_26 {dimension_numbers = #tpu.dot_dimension_numbers<[1], [0], [0], [1], [0, 0, 1, 1], [], []>, transpose_lhs_hint = false} : vector<1x32xf32>, vector<32x12800xf32>, vector<1x12800xf32> -> vector<1x12800xf32>
    %slice3A_28 = vector.extract_strided_slice %get3A_20 {offsets = [2, 32], sizes = [1, 32], strides = [1, 1]} : vector<3x64xf32> to vector<1x32xf32>
    %dot_general3A_29 = arith.constant dense<0.000000e+00> : vector<1x12800xf32>
    %dot_general3A_30 = tpu.matmul %slice3A_28, %reshape3A_17, %dot_general3A_29 {dimension_numbers = #tpu.dot_dimension_numbers<[1], [0], [0], [1], [0, 0, 1, 1], [], []>, transpose_lhs_hint = false} : vector<1x32xf32>, vector<32x12800xf32>, vector<1x12800xf32> -> vector<1x12800xf32>
    %add3A_31 = arith.addf %dot_general3A_27, %dot_general3A_30 : vector<1x12800xf32>
    %slice3A_32 = vector.extract_strided_slice %add3A {offsets = [0, 0], sizes = [1, 12800], strides = [1, 1]} : vector<2x12800xf32> to vector<1x12800xf32>
    %reshape3A_33 = vector.shape_cast %slice3A_32 : vector<1x12800xf32> to vector<1x1x12800xf32>
    %swap3A = arith.constant 0 : index
    %swap3A_34 = arith.constant 0 : index
    %swap3A_35 = arith.constant 0 : index
    %swap3A_36 = vector.load %arg7[%swap3A, %swap3A_34, %swap3A_35] : memref<1x1x12800xf32, #tpu.memory_space<vmem>>, vector<1x1x12800xf32>
    tpu.vector_store %arg7[%swap3A, %swap3A_34, %swap3A_35], %reshape3A_33 {strides = array<i32>} : memref<1x1x12800xf32, #tpu.memory_space<vmem>>, vector<1x1x12800xf32>,
    %slice3A_37 = vector.extract_strided_slice %add3A {offsets = [1, 0], sizes = [1, 12800], strides = [1, 1]} : vector<2x12800xf32> to vector<1x12800xf32>
    %reshape3A_38 = vector.shape_cast %slice3A_37 : vector<1x12800xf32> to vector<1x1x12800xf32>
    %swap3A_39 = arith.constant 0 : index
    %swap3A_40 = arith.constant 0 : index
    %swap3A_41 = arith.constant 0 : index
    %swap3A_42 = vector.load %arg8[%swap3A_39, %swap3A_40, %swap3A_41] : memref<1x1x12800xf32, #tpu.memory_space<vmem>>, vector<1x1x12800xf32>
    tpu.vector_store %arg8[%swap3A_39, %swap3A_40, %swap3A_41], %reshape3A_38 {strides = array<i32>} : memref<1x1x12800xf32, #tpu.memory_space<vmem>>, vector<1x1x12800xf32>,
    %get3A_43 = arith.constant 0 : index
    %get3A_44 = memref.load %arg6[%get3A_43] : memref<1xf32, #tpu.memory_space<smem>>
    %add3A_45 = vector.broadcast %get3A_44 : f32 to vector<1x12800xf32>
    %add3A_46 = arith.addf %add3A_31, %add3A_45 : vector<1x12800xf32>
    %reshape3A_47 = vector.shape_cast %add3A_46 : vector<1x12800xf32> to vector<1x1x12800xf32>
    %swap3A_48 = arith.constant 0 : index
    %swap3A_49 = arith.constant 0 : index
    %swap3A_50 = arith.constant 0 : index
    %swap3A_51 = vector.load %arg9[%swap3A_48, %swap3A_49, %swap3A_50] : memref<1x1x12800xf32, #tpu.memory_space<vmem>>, vector<1x1x12800xf32>
    tpu.vector_store %arg9[%swap3A_48, %swap3A_49, %swap3A_50], %reshape3A_47 {strides = array<i32>} : memref<1x1x12800xf32, #tpu.memory_space<vmem>>, vector<1x1x12800xf32>,
    return
  }
  func.func @transform_0(%arg0: i32) -> (i32, i32, i32) {
    %c0_i32 = arith.constant 0 : i32
    %c0_i32_0 = arith.constant 0 : i32
    %c0_i32_1 = arith.constant 0 : i32
    return %c0_i32, %c0_i32_0, %arg0 : i32, i32, i32
  }
  func.func @transform_1(%arg0: i32) -> (i32, i32, i32) {
    %c1_i32 = arith.constant 1 : i32
    %c0_i32 = arith.constant 0 : i32
    %c0_i32_0 = arith.constant 0 : i32
    return %c1_i32, %c0_i32, %arg0 : i32, i32, i32
  }
  func.func @transform_2(%arg0: i32) -> (i32, i32, i32) {
    %c0_i32 = arith.constant 0 : i32
    %c0_i32_0 = arith.constant 0 : i32
    %c0_i32_1 = arith.constant 0 : i32
    return %c0_i32, %c0_i32_0, %arg0 : i32, i32, i32
  }
  func.func @transform_3(%arg0: i32) -> (i32, i32, i32) {
    %c1_i32 = arith.constant 1 : i32
    %c0_i32 = arith.constant 0 : i32
    %c0_i32_0 = arith.constant 0 : i32
    return %c1_i32, %c0_i32, %arg0 : i32, i32, i32
  }
  func.func @transform_4(%arg0: i32) -> (i32, i32) {
    %c0_i32 = arith.constant 0 : i32
    %c0_i32_0 = arith.constant 0 : i32
    %c0_i32_1 = arith.constant 0 : i32
    return %c0_i32, %c0_i32_0 : i32, i32
  }
  func.func @transform_5(%arg0: i32) -> i32 {
    %c0_i32 = arith.constant 0 : i32
    %c0_i32_0 = arith.constant 0 : i32
    return %c0_i32 : i32
  }
  func.func @transform_6(%arg0: i32) -> (i32, i32, i32) {
    %c0_i32 = arith.constant 0 : i32
    %c0_i32_0 = arith.constant 0 : i32
    %c0_i32_1 = arith.constant 0 : i32
    return %arg0, %c0_i32, %c0_i32_0 : i32, i32, i32
  }
  func.func @transform_7(%arg0: i32) -> (i32, i32, i32) {
    %c0_i32 = arith.constant 0 : i32
    %c0_i32_0 = arith.constant 0 : i32
    %c0_i32_1 = arith.constant 0 : i32
    return %arg0, %c0_i32, %c0_i32_0 : i32, i32, i32
  }
  func.func @transform_8(%arg0: i32) -> (i32, i32, i32) {
    %c0_i32 = arith.constant 0 : i32
    %c0_i32_0 = arith.constant 0 : i32
    %c0_i32_1 = arith.constant 0 : i32
    return %arg0, %c0_i32, %c0_i32_0 : i32, i32, i32
  }
}

</mosaic_0001>

<sc_bundles>
// kernel: kernel.4.cloned.1.call-start
scs
__scs_entry_jumppad:
0x0: {  	(pc) =	sbr.rel $0x88, $3  }
0x1: {  	(tag) =	ssettag $0x0;
	lr =	simm.s32 $0x1  }
0x2: {  	[smem:$0x3F9A] =	sst lr;
	_ =	strace $0xD0000000  }
0x3: {  	_ = 	snop  }
0x4: {  	_ = 	snop  }
0x5: {  	_ = 	snop  }
0x6: {  	_ = 	snop  }
0x7: {  	_ = 	snop  }
__scs_overlays_trampoline_lowered:
0x8: {  	[smem:$0x3FA9] =	sst s0  }
0x9: {  	[smem:$0x3FAA] =	sst s1  }
0xa: {  	[smem:$0x3FAB] =	sst s2  }
0xb: {  	[smem:$0x3FAC] =	sst s3  }
0xc: {  	[smem:$0x3FAD] =	sst s4  }
0xd: {  	[smem:$0x3FAE] =	sst s5  }
0xe: {  	[smem:$0x3FAF] =	sst s6  }
0xf: {  	[smem:$0x3FB0] =	sst s7  }
0x10: {  	[smem:$0x3FB1] =	sst s8  }
0x11: {  	[smem:$0x3FB2] =	sst s9;
	s0 =	simm.s32 @!p0 $0x0  }
0x12: {  	s1 =	sld [smem:$0x3F98];
	s0 =	simm.s32 @p0 $0x1  }
0x13: {  	[smem:$0x3FB3] =	sst s0;
	s0 =	simm.s32 @!p1 $0x0  }
0x14: {  	s2 =	sld [smem:$0x3F97];
	s0 =	simm.s32 @p1 $0x1  }
0x15: {  	[smem:$0x3FB4] =	sst s0;
	s0 =	simm.s32 @!p2 $0x0  }
0x16: {  	s3 =	sld [smem:$0x3FDB];
	s0 =	simm.s32 @p2 $0x1  }
0x17: {  	s4 =	simm.s32 $0x1BF5;
	[smem:$0x3FB6] =	sst s0  }
0x18: {  	s0 =	sld [smem:$0x3F99];
	_ =	swait.ge [sflag:s4], $0x0  }
0x19: {  	s7 =	sld [smem:$0x3F9A]  }
0x1a: {  	s8 =	sadd.s32 $0xFFFFE003, lr  }
0x1b: {  	s9 =	sadd.s32 $0xFFFFFEF7, lr;
	s5 =	simm.s32 $0xFFFFFFFF;
	p2 =	slt.u32 s8, $0xFFFFF086  }
0x1c: {  	p1 =	slt.u32 s9, $0xF7A;
	s5 =	simm.s32 @!p2 $0x0  }
0x1d: {  	s5 =	simm.s32 @p1 $0x1;
	p0 =	seq.s32 s7, s2  }
0x1e: {  	s7 =	smul.u32 @!p0 $0xF7A, s2;
	p2 =	seq.s32 @!p0 s5, $0x0  }
0x1f: {  	s9 =	smul.u32 $0xF7A, s1;
	s8 =	simm.s32 @!p0 $0x1BF5;
	p2 =	por !p2, p0  }
0x20: {  	[sflag:s8] =	ssyncset.s32 @!p0 $0xFFFFF086;
	s6 =	sadd.s32 @!p0 s3, s7;
	s7 =	simm.s32 @!p0 $0x108  }
0x21: {  	s3 =	sadd.s32 s3, s9;
	s6 =	sadd.s32 @!p0 $0x88, s6;
	s7 =	simm.s32 @p2 $0x1082  }
0x22: {  	[simem:s7], [sflag:s8] =	dma.local @!p0 [hbm:s6], $0xF7A  }
0x23: {  	s9 =	sor.u32 $0xD0000000, s2;
	s6 =	simm.s32 $0x108;
	_ =	swait.ge @!p0 [sflag:s8], $0x0  }
0x24: {  	s3 =	sadd.s32 $0x88, s3;
	s6 =	simm.s32 @!p1 $0x1082;
	[sflag:s4] =	ssyncset.s32 $0xFFFFF086  }
0x25: {  	[simem:s6], [sflag:s4] =	dma.local [hbm:s3], $0xF7A  }
0x26: {  	[smem:$0x3F9A] =	sst s1;
	(tag) =	ssettag s2;
	_ =	strace s9  }
0x27: {  	s1 =	sld [smem:$0x3FAA]  }
0x28: {  	s2 =	sld [smem:$0x3FAB]  }
0x29: {  	s4 =	sld [smem:$0x3FAD]  }
0x2a: {  	p0 =	seq.s32 s5, $0x0;
	s5 =	sld [smem:$0x3FAE]  }
0x2b: {  	s6 =	sld [smem:$0x3FAF]  }
0x2c: {  	s7 =	sld [smem:$0x3FB0]  }
0x2d: {  	s3 =	simm.s32 $0x108;
	s8 =	sld [smem:$0x3FB1]  }
0x2e: {  	s3 =	simm.s32 @!p0 $0x1082;
	s9 =	sld [smem:$0x3FB2]  }
0x2f: {  	lr =	sadd.s32 s0, s3;
	s0 =	sld [smem:$0x3FA9]  }
0x30: {  	s3 =	sld [smem:$0x3FAC]  }
0x31: {  	[smem:$0x3FB5] =	sst s10  }
0x32: {  	s10 =	sld [smem:$0x3FB3];
	_ =	sdelay $0x3  }
0x33: {  	p0 =	seq.s32 s10, $0x1;
	s10 =	sld [smem:$0x3FB5];
	_ =	sdelay $0x3  }
0x34: {  	[smem:$0x3FB5] =	sst s10  }
0x35: {  	s10 =	sld [smem:$0x3FB4];
	_ =	sdelay $0x3  }
0x36: {  	p1 =	seq.s32 s10, $0x1;
	s10 =	sld [smem:$0x3FB5];
	_ =	sdelay $0x3  }
0x37: {  	[smem:$0x3FB5] =	sst s10  }
0x38: {  	s10 =	sld [smem:$0x3FB6]  }
0x39: {  	_ = 	snop;
	(pc) =	sbr.ind lr, $3  }
0x3a: {  	_ = 	snop  }
0x3b: {  	_ = 	snop  }
0x3c: {  	p2 =	seq.s32 s10, $0x1;
	s10 =	sld [smem:$0x3FB5]  }
0x3d: {  	_ =	shalt  }
0x3e: {  	_ =	shalt  }
0x3f: {  	_ =	shalt  }
0x40: {  	_ =	shalt  }
0x41: {  	_ =	shalt  }
0x42: {  	_ =	shalt  }
0x43: {  	_ =	shalt  }
0x44: {  	_ =	shalt  }
0x45: {  	_ =	shalt  }
0x46: {  	_ =	shalt  }
0x47: {  	_ =	shalt  }
0x48: {  	_ =	shalt  }
0x49: {  	_ =	shalt  }
0x4a: {  	_ =	shalt  }
0x4b: {  	_ =	shalt  }
0x4c: {  	_ =	shalt  }
0x4d: {  	_ =	shalt  }
0x4e: {  	_ =	shalt  }
0x4f: {  	_ =	shalt  }
0x50: {  	_ =	shalt  }
0x51: {  	_ =	shalt  }
0x52: {  	_ =	shalt  }
0x53: {  	_ =	shalt  }
0x54: {  	_ =	shalt  }
0x55: {  	_ =	shalt  }
0x56: {  	_ =	shalt  }
0x57: {  	_ =	shalt  }
0x58: {  	_ =	shalt  }
0x59: {  	_ =	shalt  }
0x5a: {  	_ =	shalt  }
0x5b: {  	_ =	shalt  }
0x5c: {  	_ =	shalt  }
0x5d: {  	_ =	shalt  }
0x5e: {  	_ =	shalt  }
0x5f: {  	_ =	shalt  }
0x60: {  	_ =	shalt  }
0x61: {  	_ =	shalt  }
0x62: {  	_ =	shalt  }
0x63: {  	_ =	shalt  }
0x64: {  	_ =	shalt  }
0x65: {  	_ =	shalt  }
0x66: {  	_ =	shalt  }
0x67: {  	_ =	shalt  }
0x68: {  	_ =	shalt  }
0x69: {  	_ =	shalt  }
0x6a: {  	_ =	shalt  }
0x6b: {  	_ =	shalt  }
0x6c: {  	_ =	shalt  }
0x6d: {  	_ =	shalt  }
0x6e: {  	_ =	shalt  }
0x6f: {  	_ =	shalt  }
0x70: {  	_ =	shalt  }
0x71: {  	_ =	shalt  }
0x72: {  	_ =	shalt  }
0x73: {  	_ =	shalt  }
0x74: {  	_ =	shalt  }
0x75: {  	_ =	shalt  }
0x76: {  	_ =	shalt  }
0x77: {  	_ =	shalt  }
0x78: {  	_ =	shalt  }
0x79: {  	_ =	shalt  }
0x7a: {  	_ =	shalt  }
0x7b: {  	_ =	shalt  }
0x7c: {  	_ =	shalt  }
0x7d: {  	_ =	shalt  }
0x7e: {  	_ =	shalt  }
0x7f: {  	_ =	shalt  }
0x80: {  	_ =	shalt  }
0x81: {  	_ =	shalt  }
0x82: {  	_ =	shalt  }
0x83: {  	_ =	shalt  }
0x84: {  	_ =	shalt  }
0x85: {  	_ =	shalt  }
0x86: {  	_ =	shalt  }
0x87: {  	_ =	shalt  }
.Lfunc_end0:
.L_simem_size_0:
called_computation_lowered:
.L_overlay_start_0:
0x88: {  	s2 =	sld [smem:$0x3FD9]  }
0x89: {  	s3 =	sld [smem:$0x3FFE];
	_ =	sdelay $0x1  }
0x8a: {  	s1 =	srdreg.scid  }
0x8b: {  	s0 =	sand.u32 $0x1, s1  }
0x8c: {  	s17 =	sshll.u32 s0, $0xA;
	s2 =	sadd.s32 s3, s2  }
0x8d: {  	s2 =	sadd.s32 s2, s17  }
0x8e: {  	[smem:$0x3FC1] =	sst s2  }
0x8f: {  	_ = 	snop  }
0x90: {  	s2 =	sld [smem:$0x3FC9]  }
0x91: {  	s18 =	sld [smem:$0x3FC8]  }
0x92: {  	s4 =	sld [smem:$0x3FC7]  }
0x93: {  	s5 =	sld [smem:$0x3FD0];
	(tm) =	ssettm $0x1  }
0x94: {  	s6 =	sld [smem:$0x3FFB];
	_ =	sdelay $0x3  }
0x95: {  	_ =	strace s6  }
0x96: {  	s6 =	sld [smem:$0x3FFC];
	_ =	sdelay $0x3  }
0x97: {  	_ =	strace s6  }
0x98: {  	s6 =	sld [smem:$0x3FFD];
	_ =	sdelay $0x3  }
0x99: {  	_ =	strace s6  }
0x9a: {  	_ =	strace $0x8FFFFFFF  }
0x9b: {  	s19 =	sld [smem:$0x3FDB];
	_ =	sdelay $0x1  }
0x9c: {  	s7 =	simm.s32 $_scs_section_size  }
0x9d: {  	s8 =	simm.s32 $_size__tile_overlayer_lowered;
	s9 =	simm.s32 $_tile_overlayer_lowered  }
0x9e: {  	s22 =	simm.s32 $0x1BFF;
	s21 =	sshll.u32 s9, $0x1;
	s6 =	sadd.s32 s7, s19  }
0x9f: {  	s10 =	simm.s32 $0x0;
	s20 =	sshll.u32 s8, $0x1;
	s8 =	sadd.s32 s21, s6  }
0xa0: {  	[timem:s10], [sflag:s22] =	dma.local [hbm:s8], s20  }
0xa1: {  	_ =	swait.ge [sflag:s22], s20  }
0xa2: {  	s7 =	ssub.s32 $0x0, s20;
	[sflag:s22] =	ssyncset.done $0x0  }
0xa3: {  	[sflag:s22] =	ssyncadd.s32 s7;
	_ =	sdelay $0x1  }
0xa4: {  	s23 =	simm.s32 $0x1B8B  }
0xa5: {  	_ =	swait.ge [sflag:s23], $0x1  }
0xa6: {  	[sflag:s23] =	ssyncset.done $0x0  }
0xa7: {  	s25 =	simm.s32 $0x1B8E;
	s24 =	sld [smem:$0x3FFE];
	[sflag:s23] =	ssyncadd.s32 $0xFFFFFFFF  }
0xa8: {  	s26 =	simm.s32 $execute0_lowered;
	[smem:$0x3FD2] =	sst s25  }
0xa9: {  	s8 =	sshll.u32 s26, $0x1;
	_ =	strace $0x80000046;
	[dreg:$0x1] =	wrdreg $0xFFFFFFFF  }
0xaa: {  	s28 =	simm.s32 $_size_execute0_lowered;
	s6 =	sadd.s32 s6, s8;
	[dreg:$0x0] =	wrdreg $0x0  }
0xab: {  	s8 =	sshll.u32 s28, $0x1;
	[dreg:$0x2] =	wrdreg s6  }
0xac: {  	[dreg:$0x3] =	wrdreg s8  }
0xad: {  	[dreg:$0x4] =	wrdreg $0xC0  }
0xae: {  	_ =	task [dreg:s10], $0x5FFFF  }
0xaf: {  	[dreg:$0x1] =	wrdreg $0xFFFFFFFF  }
0xb0: {  	[dreg:$0x0] =	wrdreg $0x60  }
0xb1: {  	[dreg:$0x2] =	wrdreg s24  }
0xb2: {  	[dreg:$0x3] =	wrdreg s2  }
0xb3: {  	[dreg:$0x4] =	wrdreg s18  }
0xb4: {  	[dreg:$0x5] =	wrdreg s4  }
0xb5: {  	[dreg:$0x6] =	wrdreg s5  }
0xb6: {  	[dreg:$0x7] =	wrdreg $0x9  }
0xb7: {  	_ =	task.clear_ibuf [dreg:s10], $0x8FFFF;
	_ =	strace $0x90000046  }
0xb8: {  	s29 =	simm.s32 $0x9;
	_ =	strace $0x80000048  }
0xb9: {  	_ =	swait.ge [sflag:s29], $0x1  }
0xba: {  	[sflag:s29] =	ssyncadd.s32 $0xFFFFFFFF  }
0xbb: {  	_ =	strace $0x90000048  }
0xbc: {  	_ =	sfence  }
0xbd: {  	s30 =	sld [smem:$0x0];
	_ =	sdelay $0x2  }
0xbe: {  	s31 =	sshll.u32 s1, $0xD;
	s1 =	sshrl.u32 s1, $0x2  }
0xbf: {  	s3 =	sand.u32 $0x4000, s31;
	s1 =	sadd.s32 s1, s30  }
0xc0: {  	s0 =	sor.u32 s3, s0;
	s1 =	sshll.u32 s1, $0x11  }
0xc1: {  	s0 =	sor.u32 s1, s0  }
0xc2: {  	s0 =	sadd.s32 $0x8F2B, s0  }
0xc3: {  	[sflag:s0] =	ssyncadd.remote.s32 $0x1  }
0xc4: {  	_ =	sfence.sel $0xFFFF  }
0xc5: {  	[dreg:$0x0] =	wrdreg $0xFFFFFFFF;
	(pc) =	sbr.abs _section_cstart, $3  }
0xc6: {  	[dreg:$0x1] =	wrdreg $0xFFFFFFFF  }
0xc7: {  	_ =	task.clear_ibuf [dreg:s10], $0x2FFFF;
	_ =	strace $0x9FFFFFFF  }
0xc8: {  	(tm) =	ssettm $0x7FFFFFFF  }
0xc9: {  	_ =	shalt  }
tec
execute0_lowered:
.L_overlay_start_1:
0x0: {  	(tag) =	ssettag $0x1  }
0x1: {  	s0 =	rddreg [dreg:$0x0]  }
0x2: {  	s6 =	rddreg [dreg:$0x1]  }
0x3: {  	s7 =	rddreg [dreg:$0x2]  }
0x4: {  	s8 =	rddreg [dreg:$0x3]  }
0x5: {  	s9 =	rddreg [dreg:$0x4];
	s3 =	srdreg.scid  }
0x6: {  	s2 =	simm.s32 $0x0;
	s1 =	stileid.u32;
	s12 =	simm.s32 $0x800  }
0x7: {  	s13 =	simm.s32 $0xA00;
	s14 =	simm.s32 $0x680;
	s15 =	simm.s32 $0x280  }
0x8: {  	s16 =	simm.s32 $0x880;
	s17 =	simm.s32 $0x480;
	s18 =	simm.s32 $0xA80  }
0x9: {  	s19 =	simm.s32 $0x100;
	s20 =	simm.s32 $0x700;
	s28 =	simm.s32 $0x380  }
0xa: {  	s29 =	simm.s32 $0x980;
	s30 =	simm.s32 $0x580;
	s31 =	simm.s32 $0xB80  }
0xb: {  	s10 =	sand.u32 $0x1, s3;
	[smem:$0x7FF] =	sst s2;
	s4 =	sshll.u32 s1, $0x7  }
0xc: {  	s3 =	sadd.s32 $0x800, s0;
	s5 =	sshll.u32 s10, $0x6;
	_ =	strace $0x80000047  }
0xd: {  	s22 =	ssub.s32 $0x2, s10;
	s10 =	simm.s32 $0x80;
	s11 =	sor.u32 s5, s4  }
0xe: {  	s4 =	sadd.s32 $0x3A00, s0;
	s5 =	sadd.s32 $0x6C00, s0;
	s24 =	sshrl.u32 s22, $0x1  }
0xf: {  	s0 =	simm.s32 $0x1;
	s21 =	sadd.s32 s6, s11;
	s23 =	sadd.s32 s7, s11  }
0x10: {  	s25 =	sadd.s32 s8, s11;
	s6 =	ssub.s32 s22, s24;
	s26 =	sadd.s32 s9, s11  }
0x11: {  	s7 =	simm.s32 $0x2;
	s8 =	simm.s32 $0x200;
	[dreg:$0x6] =	wrdreg s21  }
0x12: {  	s9 =	simm.s32 $0x400;
	s11 =	simm.s32 $0x600;
	[dreg:$0x7] =	wrdreg s23  }
0x13: {  	s22 =	simm.s32 $0x900;
	s24 =	simm.s32 $0xB00;
	[dreg:$0x8] =	wrdreg s25  }
0x14: {  	[dreg:$0x9] =	wrdreg s26;
	s6 =	smax.u32 s6, $0x1;
	s21 =	simm.s32 $0x300  }
0x15: {  	s23 =	simm.s32 $0x500;
	s25 =	simm.s32 $0x180;
	s26 =	simm.s32 $0x780  }
.LBB2_1:
0x16: {  	s1 =	rddreg [dreg:$0x6]  }
0x17: {  	[tilespmem:s2], [sflag:$0x2] =	stream.linear.gather [hbm4b:s1+s2], $0x200, $0x38;
	[tilespmem:$0xC00] =	vst v63  }
0x18: {  	_ =	swait.ge [sflag:s7], $0x200  }
0x19: {  	[sflag:s7] =	ssyncset.done $0x0  }
0x1a: {  	s1 =	rddreg [dreg:$0x7];
	[sflag:s7] =	ssyncadd.s32 $0xFFFFFE00  }
0x1b: {  	[tilespmem:s8], [sflag:$0x2] =	stream.linear.gather [hbm4b:s1+s2], $0x200, $0x38;
	[tilespmem:$0xC00] =	vst v63  }
0x1c: {  	_ =	swait.ge [sflag:s7], $0x200  }
0x1d: {  	[sflag:s7] =	ssyncset.done $0x0  }
0x1e: {  	s1 =	rddreg [dreg:$0x8];
	[sflag:s7] =	ssyncadd.s32 $0xFFFFFE00  }
0x1f: {  	[tilespmem:s9], [sflag:$0x2] =	stream.linear.gather [hbm4b:s1+s2], $0x200, $0x38;
	[tilespmem:$0xC00] =	vst v63  }
0x20: {  	_ =	swait.ge [sflag:s7], $0x200  }
0x21: {  	[sflag:s7] =	ssyncset.done $0x0  }
0x22: {  	[sflag:s7] =	ssyncadd.s32 $0xFFFFFE00  }
0x23: {  	[tilespmem:s11], [sflag:$0x1] =	stream.indirect.gather [hbm4b:s3+s10], $0x1, s2, s10, $0xb8;
	[tilespmem:$0xC00] =	vst v63  }
0x24: {  	_ = 	snop  }
0x25: {  	[tilespmem:s12], [sflag:$0x1] =	stream.indirect.gather [hbm4b:s4+s10], $0x1, s8, s10, $0xb8;
	[tilespmem:$0xC00] =	vst v63  }
0x26: {  	_ = 	snop  }
0x27: {  	[tilespmem:s13], [sflag:$0x1] =	stream.indirect.gather [hbm4b:s5+s10], $0x1, s9, s10, $0xb8;
	[tilespmem:$0xC00] =	vst v63  }
0x28: {  	_ = 	snop  }
0x29: {  	[tilespmem:s14], [sflag:$0x1] =	stream.indirect.gather [hbm4b:s3+s10], $0x1, s10, s10, $0xb8;
	[tilespmem:$0xC00] =	vst v63  }
0x2a: {  	_ = 	snop  }
0x2b: {  	[tilespmem:s16], [sflag:$0x1] =	stream.indirect.gather [hbm4b:s4+s10], $0x1, s15, s10, $0xb8;
	[tilespmem:$0xC00] =	vst v63  }
0x2c: {  	_ = 	snop  }
0x2d: {  	[tilespmem:s18], [sflag:$0x1] =	stream.indirect.gather [hbm4b:s5+s10], $0x1, s17, s10, $0xb8;
	[tilespmem:$0xC00] =	vst v63  }
0x2e: {  	_ = 	snop  }
0x2f: {  	[tilespmem:s20], [sflag:$0x1] =	stream.indirect.gather [hbm4b:s3+s10], $0x1, s19, s10, $0xb8;
	[tilespmem:$0xC00] =	vst v63  }
0x30: {  	_ = 	snop  }
0x31: {  	[tilespmem:s22], [sflag:$0x1] =	stream.indirect.gather [hbm4b:s4+s10], $0x1, s21, s10, $0xb8;
	[tilespmem:$0xC00] =	vst v63  }
0x32: {  	_ = 	snop  }
0x33: {  	[tilespmem:s24], [sflag:$0x1] =	stream.indirect.gather [hbm4b:s5+s10], $0x1, s23, s10, $0xb8;
	[tilespmem:$0xC00] =	vst v63  }
0x34: {  	_ = 	snop  }
0x35: {  	[tilespmem:s26], [sflag:$0x1] =	stream.indirect.gather [hbm4b:s3+s10], $0x1, s25, s10, $0xb8;
	[tilespmem:$0xC00] =	vst v63  }
0x36: {  	_ = 	snop  }
0x37: {  	[tilespmem:s29], [sflag:$0x1] =	stream.indirect.gather [hbm4b:s4+s10], $0x1, s28, s10, $0xb8;
	[tilespmem:$0xC00] =	vst v63  }
0x38: {  	_ = 	snop  }
0x39: {  	[tilespmem:s31], [sflag:$0x1] =	stream.indirect.gather [hbm4b:s5+s10], $0x1, s30, s10, $0xb8;
	[tilespmem:$0xC00] =	vst v63  }
0x3a: {  	_ =	swait.ge [sflag:s0], $0x80  }
0x3b: {  	[sflag:s0] =	ssyncset.done $0x0  }
0x3c: {  	[sflag:s0] =	ssyncadd.s32 $0xFFFFFF80  }
0x3d: {  	_ =	swait.ge [sflag:s0], $0x80  }
0x3e: {  	[sflag:s0] =	ssyncset.done $0x0  }
0x3f: {  	[sflag:s0] =	ssyncadd.s32 $0xFFFFFF80  }
0x40: {  	_ =	swait.ge [sflag:s0], $0x80  }
0x41: {  	[sflag:s0] =	ssyncset.done $0x0  }
0x42: {  	[sflag:s0] =	ssyncadd.s32 $0xFFFFFF80  }
0x43: {  	_ =	swait.ge [sflag:s0], $0x80  }
0x44: {  	[sflag:s0] =	ssyncset.done $0x0  }
0x45: {  	[sflag:s0] =	ssyncadd.s32 $0xFFFFFF80  }
0x46: {  	_ =	swait.ge [sflag:s0], $0x80  }
0x47: {  	[sflag:s0] =	ssyncset.done $0x0  }
0x48: {  	[sflag:s0] =	ssyncadd.s32 $0xFFFFFF80  }
0x49: {  	_ =	swait.ge [sflag:s0], $0x80  }
0x4a: {  	[sflag:s0] =	ssyncset.done $0x0  }
0x4b: {  	[sflag:s0] =	ssyncadd.s32 $0xFFFFFF80  }
0x4c: {  	_ =	swait.ge [sflag:s0], $0x80  }
0x4d: {  	[sflag:s0] =	ssyncset.done $0x0  }
0x4e: {  	[sflag:s0] =	ssyncadd.s32 $0xFFFFFF80  }
0x4f: {  	_ =	swait.ge [sflag:s0], $0x80  }
0x50: {  	[sflag:s0] =	ssyncset.done $0x0  }
0x51: {  	[sflag:s0] =	ssyncadd.s32 $0xFFFFFF80  }
0x52: {  	_ =	swait.ge [sflag:s0], $0x80  }
0x53: {  	[sflag:s0] =	ssyncset.done $0x0  }
0x54: {  	[sflag:s0] =	ssyncadd.s32 $0xFFFFFF80  }
0x55: {  	_ =	swait.ge [sflag:s0], $0x80  }
0x56: {  	[sflag:s0] =	ssyncset.done $0x0  }
0x57: {  	[sflag:s0] =	ssyncadd.s32 $0xFFFFFF80  }
0x58: {  	_ =	swait.ge [sflag:s0], $0x80  }
0x59: {  	[sflag:s0] =	ssyncset.done $0x0  }
0x5a: {  	[sflag:s0] =	ssyncadd.s32 $0xFFFFFF80  }
0x5b: {  	_ =	swait.ge [sflag:s0], $0x80  }
0x5c: {  	[sflag:s0] =	ssyncset.done $0x0  }
0x5d: {  	[sflag:s0] =	ssyncadd.s32 $0xFFFFFF80  }
0x5e: {  	v0 =	vld [tilespmem:$0x600]  }
0x5f: {  	v1 =	vld [tilespmem:$0x800]  }
0x60: {  	v2 =	vld [tilespmem:$0xA00]  }
0x61: {  	v3 =	vld [tilespmem:$0x610]  }
0x62: {  	v4 =	vld [tilespmem:$0x810]  }
0x63: {  	v5 =	vld [tilespmem:$0xA10]  }
0x64: {  	v6 =	vld [tilespmem:$0x620]  }
0x65: {  	v7 =	vld [tilespmem:$0x820]  }
0x66: {  	v8 =	vld [tilespmem:$0xA20]  }
0x67: {  	v9 =	vld [tilespmem:$0x630]  }
0x68: {  	v10 =	vld [tilespmem:$0x830]  }
0x69: {  	v11 =	vld [tilespmem:$0xA30]  }
0x6a: {  	v12 =	vld [tilespmem:$0x640]  }
0x6b: {  	v13 =	vld [tilespmem:$0x840]  }
0x6c: {  	v14 =	vld [tilespmem:$0xA40]  }
0x6d: {  	v15 =	vld [tilespmem:$0x650]  }
0x6e: {  	v16 =	vld [tilespmem:$0x850]  }
0x6f: {  	v17 =	vld [tilespmem:$0xA50]  }
0x70: {  	v18 =	vld [tilespmem:$0x660]  }
0x71: {  	v19 =	vld [tilespmem:$0x860]  }
0x72: {  	v20 =	vld [tilespmem:$0xA60]  }
0x73: {  	v21 =	vld [tilespmem:$0x670]  }
0x74: {  	v22 =	vld [tilespmem:$0x870]  }
0x75: {  	v23 =	vld [tilespmem:$0xA70]  }
0x76: {  	v24 =	vld [tilespmem:$0x680]  }
0x77: {  	v25 =	vld [tilespmem:$0x880]  }
0x78: {  	v26 =	vld [tilespmem:$0xA80]  }
0x79: {  	v27 =	vld [tilespmem:$0x690]  }
0x7a: {  	v28 =	vld [tilespmem:$0x890]  }
0x7b: {  	v29 =	vld [tilespmem:$0xA90]  }
0x7c: {  	v30 =	vld [tilespmem:$0x6A0]  }
0x7d: {  	v31 =	vld [tilespmem:$0x8A0]  }
0x7e: {  	v32 =	vld [tilespmem:$0xAA0]  }
0x7f: {  	v33 =	vld [tilespmem:$0x6B0]  }
0x80: {  	v34 =	vld [tilespmem:$0x8B0]  }
0x81: {  	v35 =	vld [tilespmem:$0xAB0]  }
0x82: {  	v36 =	vld [tilespmem:$0x6C0]  }
0x83: {  	v37 =	vld [tilespmem:$0x8C0]  }
0x84: {  	v38 =	vld [tilespmem:$0xAC0]  }
0x85: {  	v39 =	vld [tilespmem:$0x6D0]  }
0x86: {  	v40 =	vld [tilespmem:$0x8D0]  }
0x87: {  	v41 =	vld [tilespmem:$0xAD0]  }
0x88: {  	v42 =	vld [tilespmem:$0x6E0]  }
0x89: {  	v43 =	vld [tilespmem:$0x8E0]  }
0x8a: {  	v44 =	vld [tilespmem:$0xAE0]  }
0x8b: {  	v45 =	vld [tilespmem:$0x6F0]  }
0x8c: {  	v46 =	vld [tilespmem:$0x8F0]  }
0x8d: {  	v47 =	vld [tilespmem:$0xAF0]  }
0x8e: {  	v48 =	vld [tilespmem:$0x700]  }
0x8f: {  	v49 =	vld [tilespmem:$0x900]  }
0x90: {  	v53 =	vld [tilespmem:$0xB00]  }
0x91: {  	v51 =	vld [tilespmem:$0x710]  }
0x92: {  	v52 =	vld [tilespmem:$0x910]  }
0x93: {  	v56 =	vld [tilespmem:$0xB10]  }
0x94: {  	v54 =	vld [tilespmem:$0x720]  }
0x95: {  	v55 =	vld [tilespmem:$0x920]  }
0x96: {  	v62 =	vld [tilespmem:$0xB20]  }
0x97: {  	v57 =	vld [tilespmem:$0x730]  }
0x98: {  	v58 =	vld [tilespmem:$0x930]  }
0x99: {  	v63 =	vld [tilespmem:$0xB40]  }
0x9a: {  	v50 =	vld [tilespmem:$0xB30]  }
0x9b: {  	v59 =	vld [tilespmem:$0xB50]  }
0x9c: {  	v60 =	vld [tilespmem:$0x740]  }
0x9d: {  	v61 =	vld [tilespmem:$0x940]  }
0x9e: {  	[tilespmem:$0x1FFE0] =	vst v63;
	v63 =	vld [tilespmem:$0x750]  }
0x9f: {  	[tilespmem:$0x1FFD0] =	vst v50;
	v50 =	vld [tilespmem:$0x950]  }
0xa0: {  	[tilespmem:$0x1FFF0] =	vst v59;
	v59 =	vld [tilespmem:$0x760]  }
0xa1: {  	v0 =	vadd.f32 v1, v0;
	v1 =	vld [tilespmem:$0x960]  }
0xa2: {  	v3 =	vadd.f32 v4, v3;
	v4 =	vld [tilespmem:$0xB60]  }
0xa3: {  	v54 =	vadd.f32 v55, v54;
	v55 =	vld [tilespmem:$0x9C0]  }
0xa4: {  	v0 =	vadd.f32 v2, v0;
	v2 =	vadd.f32 v7, v6;
	v6 =	vld [tilespmem:$0x770]  }
0xa5: {  	v12 =	vadd.f32 v13, v12;
	v7 =	vld [tilespmem:$0x970]  }
0xa6: {  	v3 =	vadd.f32 v5, v3;
	v5 =	vadd.f32 v10, v9;
	v9 =	vld [tilespmem:$0x780]  }
0xa7: {  	v15 =	vadd.f32 v16, v15;
	v10 =	vld [tilespmem:$0x980]  }
0xa8: {  	v18 =	vadd.f32 v19, v18;
	v16 =	vadd.f32 v14, v12;
	v12 =	vld [tilespmem:$0x790];
	[tilespmem:$0x600] =	vst v0  }
0xa9: {  	v21 =	vadd.f32 v22, v21;
	v19 =	vadd.f32 v17, v15;
	v15 =	vld [tilespmem:$0x7A0];
	[tilespmem:$0x610] =	vst v3  }
0xaa: {  	v24 =	vadd.f32 v25, v24;
	v22 =	vadd.f32 v20, v18;
	v17 =	vld [tilespmem:$0xBA0];
	[tilespmem:$0x640] =	vst v16  }
0xab: {  	v27 =	vadd.f32 v28, v27;
	v25 =	vadd.f32 v23, v21;
	v18 =	vld [tilespmem:$0x7B0];
	[tilespmem:$0x650] =	vst v19  }
0xac: {  	v30 =	vadd.f32 v31, v30;
	v28 =	vadd.f32 v26, v24;
	v20 =	vld [tilespmem:$0xBB0];
	[tilespmem:$0x660] =	vst v22  }
0xad: {  	v33 =	vadd.f32 v34, v33;
	v31 =	vadd.f32 v29, v27;
	v21 =	vld [tilespmem:$0x7C0];
	[tilespmem:$0x670] =	vst v25  }
0xae: {  	v36 =	vadd.f32 v37, v36;
	v34 =	vadd.f32 v32, v30;
	v30 =	vld [tilespmem:$0xBC0];
	[tilespmem:$0x680] =	vst v28  }
0xaf: {  	v39 =	vadd.f32 v40, v39;
	v37 =	vadd.f32 v35, v33;
	v33 =	vld [tilespmem:$0x7D0];
	[tilespmem:$0x690] =	vst v31  }
0xb0: {  	v42 =	vadd.f32 v43, v42;
	v40 =	vadd.f32 v38, v36;
	v36 =	vld [tilespmem:$0x9D0];
	[tilespmem:$0x6A0] =	vst v34  }
0xb1: {  	v45 =	vadd.f32 v46, v45;
	v43 =	vadd.f32 v41, v39;
	v38 =	vld [tilespmem:$0xBD0];
	[tilespmem:$0x6B0] =	vst v37  }
0xb2: {  	v48 =	vadd.f32 v49, v48;
	v46 =	vadd.f32 v44, v42;
	v39 =	vld [tilespmem:$0x1FFF0];
	[tilespmem:$0x6C0] =	vst v40  }
0xb3: {  	v49 =	vadd.f32 v47, v45;
	v41 =	vld [tilespmem:$0x7E0];
	[tilespmem:$0x6D0] =	vst v43  }
0xb4: {  	v53 =	vadd.f32 v53, v48;
	v44 =	vld [tilespmem:$0x9E0];
	[tilespmem:$0x6E0] =	vst v46  }
0xb5: {  	v52 =	vadd.f32 v52, v51;
	v0 =	vadd.f32 v8, v2;
	[tilespmem:$0x6F0] =	vst v49;
	v34 =	vld [tilespmem:$0x1FFD0]  }
0xb6: {  	v29 =	vadd.f32 v58, v57;
	v13 =	vadd.f32 v11, v5;
	[tilespmem:$0x700] =	vst v53;
	v37 =	vld [tilespmem:$0x1FFE0]  }
0xb7: {  	v8 =	vld [tilespmem:$0xB70];
	v28 =	vadd.f32 v56, v52;
	v1 =	vadd.f32 v1, v59;
	[tilespmem:$0x620] =	vst v0  }
0xb8: {  	v32 =	vadd.f32 v61, v60;
	v11 =	vld [tilespmem:$0xB80];
	v31 =	vadd.f32 v62, v54;
	[tilespmem:$0x630] =	vst v13  }
0xb9: {  	v47 =	vld [tilespmem:$0x7F0];
	v35 =	vadd.f32 v50, v63;
	[tilespmem:$0x710] =	vst v28;
	v42 =	vadd.f32 v4, v1  }
0xba: {  	v16 =	vld [tilespmem:$0x9A0];
	[tilespmem:$0x720] =	vst v31;
	v40 =	vadd.f32 v7, v6;
	v3 =	vadd.f32 v34, v29  }
0xbb: {  	v53 =	vld [tilespmem:$0xBE0];
	v43 =	vadd.f32 v10, v9;
	v0 =	vadd.f32 v37, v32;
	[tilespmem:$0x760] =	vst v42  }
0xbc: {  	v19 =	vld [tilespmem:$0x9B0];
	v55 =	vadd.f32 v55, v21;
	v45 =	vadd.f32 v8, v40;
	[tilespmem:$0x730] =	vst v3  }
0xbd: {  	v50 =	vld [tilespmem:$0x9F0];
	v58 =	vadd.f32 v36, v33;
	v48 =	vadd.f32 v11, v43;
	[tilespmem:$0x740] =	vst v0  }
0xbe: {  	v13 =	vld [tilespmem:$0x990];
	v60 =	vadd.f32 v44, v41;
	v59 =	vadd.f32 v30, v55;
	[tilespmem:$0x770] =	vst v45  }
0xbf: {  	v56 =	vld [tilespmem:$0xBF0];
	v2 =	vadd.f32 v38, v58;
	[tilespmem:$0x780] =	vst v48  }
0xc0: {  	v14 =	vld [tilespmem:$0xB90];
	v49 =	vadd.f32 v16, v15;
	v62 =	vadd.f32 v53, v60;
	[tilespmem:$0x7C0] =	vst v59  }
0xc1: {  	v52 =	vadd.f32 v19, v18;
	v3 =	vadd.f32 v39, v35;
	[tilespmem:$0x7D0] =	vst v2  }
0xc2: {  	v61 =	vadd.f32 v50, v47;
	v54 =	vadd.f32 v17, v49;
	[tilespmem:$0x7E0] =	vst v62  }
0xc3: {  	v46 =	vadd.f32 v13, v12;
	v57 =	vadd.f32 v20, v52;
	[tilespmem:$0x750] =	vst v3  }
0xc4: {  	v63 =	vadd.f32 v56, v61;
	[tilespmem:$0x7A0] =	vst v54  }
0xc5: {  	v51 =	vadd.f32 v14, v46;
	[tilespmem:$0x7B0] =	vst v57  }
0xc6: {  	p0 =	sne.s32 s6, $0x1;
	[tilespmem:$0x7F0] =	vst v63  }
.Ltmp0:
0xc7: {  	s1 =	rddreg [dreg:$0x9];
	[tilespmem:$0x790] =	vst v51;
	(pc) =	sbr.rel @p0 .LBB2_1-.Ltmp0, $4  }
0xc8: {  	[hbm4b:s1+s2] =	stream.linear.scatter [tilespmem:s11], [sflag:$0x2], $0x200, $0x38;
	[tilespmem:$0xC00] =	vst v63  }
0xc9: {  	_ =	swait.ge [sflag:s7], $0x200  }
0xca: {  	[sflag:s7] =	ssyncset.done $0x0  }
0xcb: {  	s6 =	sadd.s32 $0xFFFFFFFF, s6;
	[sflag:s7] =	ssyncadd.s32 $0xFFFFFE00  }
0xcc: {  	_ =	sfence.sel $0x180000  }
0xcd: {  	[bflag:$0x0] =	sbarrier.arrive $0xFFFF  }
0xce: {  	_ =	strace $0x90000047  }
0xcf: {  	s0 =	stileid.u32;
	[bflag:$0x2] =	sbarrier.arrive $0xFFFF  }
0xd0: {  	p0 =	sne.s32 s0, $0x0;
	s0 =	rddreg [dreg:$0x5]  }
0xd1: {  	s0 =	sadd.s32 @!p0 $0x100000, s0  }
0xd2: {  	[sflag:s0] =	ssyncadd.tile.s32 @!p0 $0x1;
	_ =	shalt  }
.Lfunc_end2:
_tile_overlayer_lowered:
.L_overlay_start_2:
0xd3: {  	(tag) =	ssettag $0x2  }
0xd4: {  	s0 =	rddreg [dreg:$0x0];
	s2 =	stileid.u32  }
0xd5: {  	s1 =	rddreg [dreg:$0x1];
	p0 =	sne.s32 s2, $0x0  }
0xd6: {  	s3 =	rddreg [dreg:$0x2];
	[bflag:$0x3] =	sbarrier.arrive $0xFFFF;
	s2 =	simm.s32 @!p0 $0x1C02  }
0xd7: {  	[timem:s3], [sflag:s2] =	dma.local @!p0 [hbm:s0], s1  }
0xd8: {  	s0 =	simm.s32 @!p0 $0x2  }
0xd9: {  	_ =	swait.ge @!p0 [sflag:s0], s1  }
0xda: {  	s1 =	ssub.s32 @!p0 $0x0, s1;
	[sflag:s0] =	ssyncset.done @!p0 $0x0  }
0xdb: {  	[sflag:s0] =	ssyncadd.s32 @!p0 s1  }
0xdc: {  	[bflag:$0x3] =	sbarrier.arrive $0xFFFF  }
0xdd: {  	_ =	shalt  }

</sc_bundles>
